<compile_context>
chip_gen: v7x
topology: tpu7x:2x2x1
jax: 0.10.2.dev20260603
libtpu: 0.0.44.dev20260713+nightly
codegen_flags: <defaults>
</compile_context>

<pallas_src>
import functools

import jax
import jax.numpy as jnp
import numpy as np
from jax import lax
from jax.experimental import pallas as pl
from jax.experimental.pallas import tpu as pltpu
from jax.experimental.pallas import tpu_sc as plsc

ALPHA = 0.2
NEG_BIG = -3.0e38

NC = 2
NS = 16
NW = NC * NS
LANES = 16

N_NODES = 10000
N_PAD = 10240
ROWS = 80
CHUNK = 128
E_TILE_PAD = ROWS * CHUNK
E_PAD_TOTAL = NW * E_TILE_PAD
TBL_CHUNK = N_PAD // NS
SLICE = N_PAD // NS
GRID = 10
BLK = N_PAD // GRID

E_ROWS = 320000 // CHUNK
FULL_TILES = E_ROWS // ROWS
TAIL_ROWS = E_ROWS - FULL_TILES * ROWS


def _mm_body(x_ref, w_ref, a_ref, s1_ref, s2_ref, m_ref):
    i = pl.program_id(0)
    wh = jnp.dot(x_ref[...], w_ref[...], preferred_element_type=jnp.float32)
    srow = lax.dot_general(a_ref[...], wh, (((1,), (1,)), ((), ())),
                           preferred_element_type=jnp.float32)
    g = i * BLK + lax.broadcasted_iota(jnp.int32, (1, BLK), 1)
    valid = g < N_NODES
    srow_z = jnp.where(valid, srow, 0.0)
    z7 = jnp.zeros((7, BLK), jnp.float32)
    s1_ref[...] = jnp.concatenate([srow_z[0:1, :], z7], axis=0)
    s2_ref[...] = jnp.concatenate([srow_z[1:2, :], z7], axis=0)

    srow_m = jnp.where(valid, srow, NEG_BIG)
    ms1 = jnp.max(srow_m[0:1, :])
    ms2 = jnp.max(srow_m[1:2, :])
    mblk = jnp.concatenate(
        [jnp.full((4, 128), ms1), jnp.full((4, 128), ms2)], axis=0)

    @pl.when(i == 0)
    def _():
        m_ref[...] = jnp.full((8, 128), NEG_BIG)

    m_ref[...] = jnp.maximum(m_ref[...], mblk)


def _edge_body(s1_hbm, s2_hbm, m_hbm, ej_hbm,
               coef_out,
               s1_v, s2_v, m_v, ej_v, p_v,
               slice_v,
               coef_sh,
               sem):
    c = lax.axis_index("c")
    s = lax.axis_index("s")
    w = c * NS + s
    base = pl.multiple_of(w * ROWS, 8)

    for k in range(NS):
        r = s + k
        r = jnp.where(r >= NS, r - NS, r)
        off = pl.multiple_of(r * TBL_CHUNK, 8)
        pltpu.async_copy(s1_hbm.at[0, pl.ds(off, TBL_CHUNK)],
                         s1_v.at[pl.ds(off, TBL_CHUNK)], sem)
        pltpu.async_copy(s2_hbm.at[0, pl.ds(off, TBL_CHUNK)],
                         s2_v.at[pl.ds(off, TBL_CHUNK)], sem)

    @pl.when(w < FULL_TILES)
    def _():
        pltpu.async_copy(ej_hbm.at[pl.ds(base, ROWS)], ej_v, sem)

    @pl.when(w == FULL_TILES)
    def _():
        pltpu.async_copy(ej_hbm.at[pl.ds(base, TAIL_ROWS)],
                         ej_v.at[pl.ds(0, TAIL_ROWS)], sem)

    pltpu.sync_copy(m_hbm, m_v)

    z = jnp.zeros((LANES,), jnp.float32)
    for k in range(SLICE // LANES):
        slice_v[pl.ds(k * LANES, LANES)] = z

    @pl.when(w == FULL_TILES)
    def _():
        zi = jnp.zeros((LANES,), jnp.int32)
        lane = lax.iota(jnp.int32, LANES)

        def fill(j, carry):
            for k in range(CHUNK // LANES):
                dump = N_NODES + lax.rem(j * CHUNK + k * LANES + lane,
                                         N_PAD - N_NODES)
                ej_v[j, 0, pl.ds(k * LANES, LANES)] = zi
                ej_v[j, 1, pl.ds(k * LANES, LANES)] = dump
            return carry

        lax.fori_loop(TAIL_ROWS, ROWS, fill, 0)

    ms1 = jnp.max(m_v[0, pl.ds(0, LANES)])
    ms2 = jnp.max(m_v[4, pl.ds(0, LANES)])
    m = ms1 + ms2
    m = jnp.maximum(m, ALPHA * m)

    pltpu.make_async_copy(s1_hbm.at[0], s1_v, sem).wait()
    pltpu.make_async_copy(s2_hbm.at[0], s2_v, sem).wait()

    @pl.when(w < FULL_TILES)
    def _():
        pltpu.make_async_copy(ej_hbm.at[pl.ds(base, ROWS)], ej_v, sem).wait()

    @pl.when(w == FULL_TILES)
    def _():
        pltpu.make_async_copy(ej_hbm.at[pl.ds(base, TAIL_ROWS)],
                              ej_v.at[pl.ds(0, TAIL_ROWS)], sem).wait()

    pltpu.sync_copy(slice_v, coef_sh.at[pl.ds(s * SLICE, SLICE)])
    plsc.subcore_barrier()

    def edges(j, carry):
        for k in range(CHUNK // LANES):
            isrc = ej_v[j, 0, pl.ds(k * LANES, LANES)]
            idst = ej_v[j, 1, pl.ds(k * LANES, LANES)]
            ve = (plsc.load_gather(s1_v, [isrc])
                  + plsc.load_gather(s2_v, [idst]))
            ve = jnp.maximum(ve, ALPHA * ve)
            p_v[j, pl.ds(k * LANES, LANES)] = jnp.exp(ve - m)
        pltpu.async_copy(p_v.at[j], coef_sh.at[ej_v.at[j, 1]], sem, add=True)
        return carry

    lax.fori_loop(0, ROWS, edges, 0)
    pltpu.make_async_copy(s1_hbm.at[0], s1_v, sem).wait()
    plsc.subcore_barrier()

    pltpu.sync_copy(coef_sh.at[pl.ds(s * SLICE, SLICE)], slice_v)
    pltpu.sync_copy(
        slice_v,
        coef_out.at[pl.multiple_of(8 * c, 8), pl.ds(s * SLICE, SLICE)])


@functools.cache
def _edge_kernel():
    return functools.partial(
        pl.kernel,
        out_type=jax.ShapeDtypeStruct((2 * 8, N_PAD), jnp.float32),
        mesh=plsc.VectorSubcoreMesh(
            core_axis_name="c", subcore_axis_name="s", num_cores=NC, num_subcores=NS
        ),
        scratch_types=_edge_scratch(),
        compiler_params=pltpu.CompilerParams(needs_layout_passes=False),
    )(_edge_body)


def _edge_scratch():
    return [
        pltpu.VMEM((N_PAD,), jnp.float32),
        pltpu.VMEM((N_PAD,), jnp.float32),
        pltpu.VMEM((8, 128), jnp.float32),
        pltpu.VMEM((ROWS, 2, CHUNK), jnp.int32),
        pltpu.VMEM((ROWS, CHUNK), jnp.float32),
        pltpu.VMEM((SLICE,), jnp.float32),
        pltpu.VMEM_SHARED((N_PAD,), jnp.float32),
        pltpu.SemaphoreType.DMA,
    ]


def _fin_body(x_ref, w_ref, coef_ref, out_ref):
    wh = jnp.dot(x_ref[...], w_ref[...], preferred_element_type=jnp.float32)
    row = coef_ref[0:1, :] + coef_ref[8:9, :]
    denom = jnp.sum(row[:, :N_NODES])
    col = jnp.transpose(row, (1, 0))
    out_ref[...] = wh * (col[0:N_NODES, :] / denom)


def kernel(x, edge_index, W, a):
    n, f = x.shape
    a12r = a[0, :, 0].reshape(2, f)

    s1t, s2t, m_t = pl.pallas_call(
        _mm_body,
        grid=(GRID,),
        in_specs=[
            pl.BlockSpec((BLK, f), lambda i: (i, 0)),
            pl.BlockSpec((f, f), lambda i: (0, 0)),
            pl.BlockSpec((2, f), lambda i: (0, 0)),
        ],
        out_specs=[
            pl.BlockSpec((8, BLK), lambda i: (0, i)),
            pl.BlockSpec((8, BLK), lambda i: (0, i)),
            pl.BlockSpec((8, 128), lambda i: (0, 0)),
        ],
        out_shape=[
            jax.ShapeDtypeStruct((8, N_PAD), jnp.float32),
            jax.ShapeDtypeStruct((8, N_PAD), jnp.float32),
            jax.ShapeDtypeStruct((8, 128), jnp.float32),
        ],
    )(x, W[0], a12r)

    ej = jnp.transpose(
        edge_index.astype(jnp.int32).reshape(2, E_ROWS, CHUNK), (1, 0, 2))

    coef_t = _edge_kernel()(s1t, s2t, m_t, ej)

    return pl.pallas_call(
        _fin_body,
        out_shape=jax.ShapeDtypeStruct((n, f), jnp.float32),
    )(x, W[0], coef_t)

# --- scband reference (transcript-rebuilt; emitter-appended) ---
"""Pipeline reference for scband-gatlayer-33019708572037 (READ-ONLY COPY).

The authoritative reference and input builder live on the scoring server;
editing this copy changes nothing except your own understanding.
"""

import jax, jax.numpy as jnp
import numpy as np

N = 10000
E = 320000
IN_F = 128
OUT_F = 128
HEADS = 1
ALPHA = 0.2


def setup_inputs(seed: int = 0):
    key = jax.random.key(seed)
    k1, k2, k3, k4 = jax.random.split(key, 4)
    x = jax.random.normal(k1, (N, IN_F), dtype=jnp.float32)
    edge_index = jax.random.randint(k2, (2, E), 0, N)
    gain = float(np.sqrt(2.0 / (1.0 + ALPHA ** 2)))
    bw = gain * float(np.sqrt(6.0 / (IN_F + OUT_F)))
    W = jax.random.uniform(k3, (HEADS, IN_F, OUT_F), minval=-bw, maxval=bw, dtype=jnp.float32)
    ba = gain * float(np.sqrt(6.0 / (2 * OUT_F + 1)))
    a = jax.random.uniform(k4, (HEADS, 2 * OUT_F, 1), minval=-ba, maxval=ba, dtype=jnp.float32)
    return {"x": x, "edge_index": edge_index, "W": W, "a": a}


def reference(x, edge_index, W, a):
    # Faithful translation of GATLayer.forward with dropout_rate=0.0 (identity)
    src = edge_index[0]
    dst = edge_index[1]
    n_nodes = x.shape[0]
    outs = []
    for k in range(W.shape[0]):
        Wh = x @ W[k]                                  # [N, out_f]
        Wh_i = jnp.take(Wh, src, axis=0)               # gather [E, out_f]
        Wh_j = jnp.take(Wh, dst, axis=0)               # gather [E, out_f]
        e_ij = jnp.concatenate([Wh_i, Wh_j], axis=1)   # [E, 2*out_f]
        e = jax.nn.leaky_relu(jnp.squeeze(e_ij @ a[k], axis=1), negative_slope=ALPHA)
        attention = jax.nn.softmax(e, axis=0)          # global softmax over all edges (as in original)
        h = jax.ops.segment_sum(attention[:, None] * Wh_j, dst, num_segments=n_nodes)
        outs.append(h)
    # concat=True
    return jnp.concatenate(outs, axis=1)

if __name__ == "__main__":
    import jax
    _d = setup_inputs()
    print(jax.jit(kernel)(*tuple(_d.values())))

</pallas_src>

<mosaic_0001>
#map = affine_map<(d0, d1) -> (0, 0)>
#map1 = affine_map<(d0, d1) -> (0, 0, 0)>
module attributes {stable_mosaic.version = 14 : i64} {
  func.func @_edge_body(%arg0: i32, %arg1: i32, %arg2: memref<8x10240xf32, #tpu.memory_space<hbm>>, %arg3: memref<8x10240xf32, #tpu.memory_space<hbm>>, %arg4: memref<8x128xf32, #tpu.memory_space<hbm>>, %arg5: memref<2500x2x128xi32, #tpu.memory_space<hbm>>, %arg6: memref<16x10240xf32, #tpu.memory_space<hbm>>, %arg7: memref<10240xf32, #tpu.memory_space<vmem>>, %arg8: memref<10240xf32, #tpu.memory_space<vmem>>, %arg9: memref<8x128xf32, #tpu.memory_space<vmem>>, %arg10: memref<80x2x128xi32, #tpu.memory_space<vmem>>, %arg11: memref<80x128xf32, #tpu.memory_space<vmem>>, %arg12: memref<640xf32, #tpu.memory_space<vmem>>, %arg13: memref<10240xf32, #tpu.memory_space<vmem_shared>>, %arg14: memref<!tpu.dma_semaphore, #tpu.memory_space<semaphore_mem>>) attributes {dimension_semantics = [#tpu.dimension_semantics<core_parallel>, #tpu.dimension_semantics<subcore_parallel>], iteration_bounds = array<i64: 2, 16>, scalar_prefetch = 0 : i64, scratch_operands = 8 : i64, tpu.core_type = #tpu.core_type<sc_vector_subcore>, window_params = [{transform_indices = #map}, {transform_indices = #map}, {transform_indices = #map}, {transform_indices = #map1}, {transform_indices = #map}]} {
    %mul3A = arith.constant 16 : i32
    %mul3A_0 = arith.muli %arg0, %mul3A : i32
    %add3A = arith.addi %mul3A_0, %arg1 : i32
    %mul3A_1 = arith.constant 80 : i32
    %mul3A_2 = arith.muli %add3A, %mul3A_1 : i32
    %multiple_of3A = tpu.assume_multiple %mul3A_2, 8 : i32
    %add3A_3 = arith.constant 0 : i32
    %add3A_4 = arith.addi %arg1, %add3A_3 : i32
    %ge3A = arith.constant 16 : i32
    %ge3A_5 = arith.cmpi sge, %add3A_4, %ge3A : i32
    %sub3A = arith.constant 16 : i32
    %sub3A_6 = arith.subi %add3A_4, %sub3A : i32
    %select_n3A = arith.select %ge3A_5, %sub3A_6, %add3A_4 : i32
    %mul3A_7 = arith.constant 640 : i32
    %mul3A_8 = arith.muli %select_n3A, %mul3A_7 : i32
    %multiple_of3A_9 = tpu.assume_multiple %mul3A_8, 8 : i32
    %dma_start3A = arith.constant 0 : i32
    %dma_start3A_10 = tpu.memref_slice %arg7[%multiple_of3A_9] : memref<10240xf32, #tpu.memory_space<vmem>> -> memref<640xf32, #tpu.memory_space<vmem>>
    %dma_start3A_11 = tpu.memref_slice %arg2[%dma_start3A, %multiple_of3A_9] : memref<8x10240xf32, #tpu.memory_space<hbm>> -> memref<1x640xf32, #tpu.memory_space<hbm>>
    %dma_start3A_12 = tpu.memref_squeeze %dma_start3A_11 : memref<1x640xf32, #tpu.memory_space<hbm>> -> memref<640xf32, #tpu.memory_space<hbm>>
    %dma_start3A_13 = tpu.memref_slice %arg7[%multiple_of3A_9] : memref<10240xf32, #tpu.memory_space<vmem>> -> memref<640xf32, #tpu.memory_space<vmem>>
    %dma_start3A_14 = tpu.memref_slice %arg2[%dma_start3A, %multiple_of3A_9] : memref<8x10240xf32, #tpu.memory_space<hbm>> -> memref<1x640xf32, #tpu.memory_space<hbm>>
    %dma_start3A_15 = tpu.memref_squeeze %dma_start3A_14 : memref<1x640xf32, #tpu.memory_space<hbm>> -> memref<640xf32, #tpu.memory_space<hbm>>
    tpu.enqueue_dma source(%dma_start3A_15 : memref<640xf32, #tpu.memory_space<hbm>>) target(%dma_start3A_13 : memref<640xf32, #tpu.memory_space<vmem>>) target_semaphore(%arg14 : memref<!tpu.dma_semaphore, #tpu.memory_space<semaphore_mem>>)
    %dma_start3A_16 = arith.constant 0 : i32
    %dma_start3A_17 = tpu.memref_slice %arg8[%multiple_of3A_9] : memref<10240xf32, #tpu.memory_space<vmem>> -> memref<640xf32, #tpu.memory_space<vmem>>
    %dma_start3A_18 = tpu.memref_slice %arg3[%dma_start3A_16, %multiple_of3A_9] : memref<8x10240xf32, #tpu.memory_space<hbm>> -> memref<1x640xf32, #tpu.memory_space<hbm>>
    %dma_start3A_19 = tpu.memref_squeeze %dma_start3A_18 : memref<1x640xf32, #tpu.memory_space<hbm>> -> memref<640xf32, #tpu.memory_space<hbm>>
    %dma_start3A_20 = tpu.memref_slice %arg8[%multiple_of3A_9] : memref<10240xf32, #tpu.memory_space<vmem>> -> memref<640xf32, #tpu.memory_space<vmem>>
    %dma_start3A_21 = tpu.memref_slice %arg3[%dma_start3A_16, %multiple_of3A_9] : memref<8x10240xf32, #tpu.memory_space<hbm>> -> memref<1x640xf32, #tpu.memory_space<hbm>>
    %dma_start3A_22 = tpu.memref_squeeze %dma_start3A_21 : memref<1x640xf32, #tpu.memory_space<hbm>> -> memref<640xf32, #tpu.memory_space<hbm>>
    tpu.enqueue_dma source(%dma_start3A_22 : memref<640xf32, #tpu.memory_space<hbm>>) target(%dma_start3A_20 : memref<640xf32, #tpu.memory_space<vmem>>) target_semaphore(%arg14 : memref<!tpu.dma_semaphore, #tpu.memory_space<semaphore_mem>>)
    %add3A_23 = arith.constant 1 : i32
    %add3A_24 = arith.addi %arg1, %add3A_23 : i32
    %ge3A_25 = arith.constant 16 : i32
    %ge3A_26 = arith.cmpi sge, %add3A_24, %ge3A_25 : i32
    %sub3A_27 = arith.constant 16 : i32
    %sub3A_28 = arith.subi %add3A_24, %sub3A_27 : i32
    %select_n3A_29 = arith.select %ge3A_26, %sub3A_28, %add3A_24 : i32
    %mul3A_30 = arith.constant 640 : i32
    %mul3A_31 = arith.muli %select_n3A_29, %mul3A_30 : i32
    %multiple_of3A_32 = tpu.assume_multiple %mul3A_31, 8 : i32
    %dma_start3A_33 = arith.constant 0 : i32
    %dma_start3A_34 = tpu.memref_slice %arg7[%multiple_of3A_32] : memref<10240xf32, #tpu.memory_space<vmem>> -> memref<640xf32, #tpu.memory_space<vmem>>
    %dma_start3A_35 = tpu.memref_slice %arg2[%dma_start3A_33, %multiple_of3A_32] : memref<8x10240xf32, #tpu.memory_space<hbm>> -> memref<1x640xf32, #tpu.memory_space<hbm>>
    %dma_start3A_36 = tpu.memref_squeeze %dma_start3A_35 : memref<1x640xf32, #tpu.memory_space<hbm>> -> memref<640xf32, #tpu.memory_space<hbm>>
    %dma_start3A_37 = tpu.memref_slice %arg7[%multiple_of3A_32] : memref<10240xf32, #tpu.memory_space<vmem>> -> memref<640xf32, #tpu.memory_space<vmem>>
    %dma_start3A_38 = tpu.memref_slice %arg2[%dma_start3A_33, %multiple_of3A_32] : memref<8x10240xf32, #tpu.memory_space<hbm>> -> memref<1x640xf32, #tpu.memory_space<hbm>>
    %dma_start3A_39 = tpu.memref_squeeze %dma_start3A_38 : memref<1x640xf32, #tpu.memory_space<hbm>> -> memref<640xf32, #tpu.memory_space<hbm>>
    tpu.enqueue_dma source(%dma_start3A_39 : memref<640xf32, #tpu.memory_space<hbm>>) target(%dma_start3A_37 : memref<640xf32, #tpu.memory_space<vmem>>) target_semaphore(%arg14 : memref<!tpu.dma_semaphore, #tpu.memory_space<semaphore_mem>>)
    %dma_start3A_40 = arith.constant 0 : i32
    %dma_start3A_41 = tpu.memref_slice %arg8[%multiple_of3A_32] : memref<10240xf32, #tpu.memory_space<vmem>> -> memref<640xf32, #tpu.memory_space<vmem>>
    %dma_start3A_42 = tpu.memref_slice %arg3[%dma_start3A_40, %multiple_of3A_32] : memref<8x10240xf32, #tpu.memory_space<hbm>> -> memref<1x640xf32, #tpu.memory_space<hbm>>
    %dma_start3A_43 = tpu.memref_squeeze %dma_start3A_42 : memref<1x640xf32, #tpu.memory_space<hbm>> -> memref<640xf32, #tpu.memory_space<hbm>>
    %dma_start3A_44 = tpu.memref_slice %arg8[%multiple_of3A_32] : memref<10240xf32, #tpu.memory_space<vmem>> -> memref<640xf32, #tpu.memory_space<vmem>>
    %dma_start3A_45 = tpu.memref_slice %arg3[%dma_start3A_40, %multiple_of3A_32] : memref<8x10240xf32, #tpu.memory_space<hbm>> -> memref<1x640xf32, #tpu.memory_space<hbm>>
    %dma_start3A_46 = tpu.memref_squeeze %dma_start3A_45 : memref<1x640xf32, #tpu.memory_space<hbm>> -> memref<640xf32, #tpu.memory_space<hbm>>
    tpu.enqueue_dma source(%dma_start3A_46 : memref<640xf32, #tpu.memory_space<hbm>>) target(%dma_start3A_44 : memref<640xf32, #tpu.memory_space<vmem>>) target_semaphore(%arg14 : memref<!tpu.dma_semaphore, #tpu.memory_space<semaphore_mem>>)
    %add3A_47 = arith.constant 2 : i32
    %add3A_48 = arith.addi %arg1, %add3A_47 : i32
    %ge3A_49 = arith.constant 16 : i32
    %ge3A_50 = arith.cmpi sge, %add3A_48, %ge3A_49 : i32
    %sub3A_51 = arith.constant 16 : i32
    %sub3A_52 = arith.subi %add3A_48, %sub3A_51 : i32
    %select_n3A_53 = arith.select %ge3A_50, %sub3A_52, %add3A_48 : i32
    %mul3A_54 = arith.constant 640 : i32
    %mul3A_55 = arith.muli %select_n3A_53, %mul3A_54 : i32
    %multiple_of3A_56 = tpu.assume_multiple %mul3A_55, 8 : i32
    %dma_start3A_57 = arith.constant 0 : i32
    %dma_start3A_58 = tpu.memref_slice %arg7[%multiple_of3A_56] : memref<10240xf32, #tpu.memory_space<vmem>> -> memref<640xf32, #tpu.memory_space<vmem>>
    %dma_start3A_59 = tpu.memref_slice %arg2[%dma_start3A_57, %multiple_of3A_56] : memref<8x10240xf32, #tpu.memory_space<hbm>> -> memref<1x640xf32, #tpu.memory_space<hbm>>
    %dma_start3A_60 = tpu.memref_squeeze %dma_start3A_59 : memref<1x640xf32, #tpu.memory_space<hbm>> -> memref<640xf32, #tpu.memory_space<hbm>>
    %dma_start3A_61 = tpu.memref_slice %arg7[%multiple_of3A_56] : memref<10240xf32, #tpu.memory_space<vmem>> -> memref<640xf32, #tpu.memory_space<vmem>>
    %dma_start3A_62 = tpu.memref_slice %arg2[%dma_start3A_57, %multiple_of3A_56] : memref<8x10240xf32, #tpu.memory_space<hbm>> -> memref<1x640xf32, #tpu.memory_space<hbm>>
    %dma_start3A_63 = tpu.memref_squeeze %dma_start3A_62 : memref<1x640xf32, #tpu.memory_space<hbm>> -> memref<640xf32, #tpu.memory_space<hbm>>
    tpu.enqueue_dma source(%dma_start3A_63 : memref<640xf32, #tpu.memory_space<hbm>>) target(%dma_start3A_61 : memref<640xf32, #tpu.memory_space<vmem>>) target_semaphore(%arg14 : memref<!tpu.dma_semaphore, #tpu.memory_space<semaphore_mem>>)
    %dma_start3A_64 = arith.constant 0 : i32
    %dma_start3A_65 = tpu.memref_slice %arg8[%multiple_of3A_56] : memref<10240xf32, #tpu.memory_space<vmem>> -> memref<640xf32, #tpu.memory_space<vmem>>
    %dma_start3A_66 = tpu.memref_slice %arg3[%dma_start3A_64, %multiple_of3A_56] : memref<8x10240xf32, #tpu.memory_space<hbm>> -> memref<1x640xf32, #tpu.memory_space<hbm>>
    %dma_start3A_67 = tpu.memref_squeeze %dma_start3A_66 : memref<1x640xf32, #tpu.memory_space<hbm>> -> memref<640xf32, #tpu.memory_space<hbm>>
    %dma_start3A_68 = tpu.memref_slice %arg8[%multiple_of3A_56] : memref<10240xf32, #tpu.memory_space<vmem>> -> memref<640xf32, #tpu.memory_space<vmem>>
    %dma_start3A_69 = tpu.memref_slice %arg3[%dma_start3A_64, %multiple_of3A_56] : memref<8x10240xf32, #tpu.memory_space<hbm>> -> memref<1x640xf32, #tpu.memory_space<hbm>>
    %dma_start3A_70 = tpu.memref_squeeze %dma_start3A_69 : memref<1x640xf32, #tpu.memory_space<hbm>> -> memref<640xf32, #tpu.memory_space<hbm>>
    tpu.enqueue_dma source(%dma_start3A_70 : memref<640xf32, #tpu.memory_space<hbm>>) target(%dma_start3A_68 : memref<640xf32, #tpu.memory_space<vmem>>) target_semaphore(%arg14 : memref<!tpu.dma_semaphore, #tpu.memory_space<semaphore_mem>>)
    %add3A_71 = arith.constant 3 : i32
    %add3A_72 = arith.addi %arg1, %add3A_71 : i32
    %ge3A_73 = arith.constant 16 : i32
    %ge3A_74 = arith.cmpi sge, %add3A_72, %ge3A_73 : i32
    %sub3A_75 = arith.constant 16 : i32
    %sub3A_76 = arith.subi %add3A_72, %sub3A_75 : i32
    %select_n3A_77 = arith.select %ge3A_74, %sub3A_76, %add3A_72 : i32
    %mul3A_78 = arith.constant 640 : i32
    %mul3A_79 = arith.muli %select_n3A_77, %mul3A_78 : i32
    %multiple_of3A_80 = tpu.assume_multiple %mul3A_79, 8 : i32
    %dma_start3A_81 = arith.constant 0 : i32
    %dma_start3A_82 = tpu.memref_slice %arg7[%multiple_of3A_80] : memref<10240xf32, #tpu.memory_space<vmem>> -> memref<640xf32, #tpu.memory_space<vmem>>
    %dma_start3A_83 = tpu.memref_slice %arg2[%dma_start3A_81, %multiple_of3A_80] : memref<8x10240xf32, #tpu.memory_space<hbm>> -> memref<1x640xf32, #tpu.memory_space<hbm>>
    %dma_start3A_84 = tpu.memref_squeeze %dma_start3A_83 : memref<1x640xf32, #tpu.memory_space<hbm>> -> memref<640xf32, #tpu.memory_space<hbm>>
    %dma_start3A_85 = tpu.memref_slice %arg7[%multiple_of3A_80] : memref<10240xf32, #tpu.memory_space<vmem>> -> memref<640xf32, #tpu.memory_space<vmem>>
    %dma_start3A_86 = tpu.memref_slice %arg2[%dma_start3A_81, %multiple_of3A_80] : memref<8x10240xf32, #tpu.memory_space<hbm>> -> memref<1x640xf32, #tpu.memory_space<hbm>>
    %dma_start3A_87 = tpu.memref_squeeze %dma_start3A_86 : memref<1x640xf32, #tpu.memory_space<hbm>> -> memref<640xf32, #tpu.memory_space<hbm>>
    tpu.enqueue_dma source(%dma_start3A_87 : memref<640xf32, #tpu.memory_space<hbm>>) target(%dma_start3A_85 : memref<640xf32, #tpu.memory_space<vmem>>) target_semaphore(%arg14 : memref<!tpu.dma_semaphore, #tpu.memory_space<semaphore_mem>>)
    %dma_start3A_88 = arith.constant 0 : i32
    %dma_start3A_89 = tpu.memref_slice %arg8[%multiple_of3A_80] : memref<10240xf32, #tpu.memory_space<vmem>> -> memref<640xf32, #tpu.memory_space<vmem>>
    %dma_start3A_90 = tpu.memref_slice %arg3[%dma_start3A_88, %multiple_of3A_80] : memref<8x10240xf32, #tpu.memory_space<hbm>> -> memref<1x640xf32, #tpu.memory_space<hbm>>
    %dma_start3A_91 = tpu.memref_squeeze %dma_start3A_90 : memref<1x640xf32, #tpu.memory_space<hbm>> -> memref<640xf32, #tpu.memory_space<hbm>>
    %dma_start3A_92 = tpu.memref_slice %arg8[%multiple_of3A_80] : memref<10240xf32, #tpu.memory_space<vmem>> -> memref<640xf32, #tpu.memory_space<vmem>>
    %dma_start3A_93 = tpu.memref_slice %arg3[%dma_start3A_88, %multiple_of3A_80] : memref<8x10240xf32, #tpu.memory_space<hbm>> -> memref<1x640xf32, #tpu.memory_space<hbm>>
    %dma_start3A_94 = tpu.memref_squeeze %dma_start3A_93 : memref<1x640xf32, #tpu.memory_space<hbm>> -> memref<640xf32, #tpu.memory_space<hbm>>
    tpu.enqueue_dma source(%dma_start3A_94 : memref<640xf32, #tpu.memory_space<hbm>>) target(%dma_start3A_92 : memref<640xf32, #tpu.memory_space<vmem>>) target_semaphore(%arg14 : memref<!tpu.dma_semaphore, #tpu.memory_space<semaphore_mem>>)
    %add3A_95 = arith.constant 4 : i32
    %add3A_96 = arith.addi %arg1, %add3A_95 : i32
    %ge3A_97 = arith.constant 16 : i32
    %ge3A_98 = arith.cmpi sge, %add3A_96, %ge3A_97 : i32
    %sub3A_99 = arith.constant 16 : i32
    %sub3A_100 = arith.subi %add3A_96, %sub3A_99 : i32
    %select_n3A_101 = arith.select %ge3A_98, %sub3A_100, %add3A_96 : i32
    %mul3A_102 = arith.constant 640 : i32
    %mul3A_103 = arith.muli %select_n3A_101, %mul3A_102 : i32
    %multiple_of3A_104 = tpu.assume_multiple %mul3A_103, 8 : i32
    %dma_start3A_105 = arith.constant 0 : i32
    %dma_start3A_106 = tpu.memref_slice %arg7[%multiple_of3A_104] : memref<10240xf32, #tpu.memory_space<vmem>> -> memref<640xf32, #tpu.memory_space<vmem>>
    %dma_start3A_107 = tpu.memref_slice %arg2[%dma_start3A_105, %multiple_of3A_104] : memref<8x10240xf32, #tpu.memory_space<hbm>> -> memref<1x640xf32, #tpu.memory_space<hbm>>
    %dma_start3A_108 = tpu.memref_squeeze %dma_start3A_107 : memref<1x640xf32, #tpu.memory_space<hbm>> -> memref<640xf32, #tpu.memory_space<hbm>>
    %dma_start3A_109 = tpu.memref_slice %arg7[%multiple_of3A_104] : memref<10240xf32, #tpu.memory_space<vmem>> -> memref<640xf32, #tpu.memory_space<vmem>>
    %dma_start3A_110 = tpu.memref_slice %arg2[%dma_start3A_105, %multiple_of3A_104] : memref<8x10240xf32, #tpu.memory_space<hbm>> -> memref<1x640xf32, #tpu.memory_space<hbm>>
    %dma_start3A_111 = tpu.memref_squeeze %dma_start3A_110 : memref<1x640xf32, #tpu.memory_space<hbm>> -> memref<640xf32, #tpu.memory_space<hbm>>
    tpu.enqueue_dma source(%dma_start3A_111 : memref<640xf32, #tpu.memory_space<hbm>>) target(%dma_start3A_109 : memref<640xf32, #tpu.memory_space<vmem>>) target_semaphore(%arg14 : memref<!tpu.dma_semaphore, #tpu.memory_space<semaphore_mem>>)
    %dma_start3A_112 = arith.constant 0 : i32
    %dma_start3A_113 = tpu.memref_slice %arg8[%multiple_of3A_104] : memref<10240xf32, #tpu.memory_space<vmem>> -> memref<640xf32, #tpu.memory_space<vmem>>
    %dma_start3A_114 = tpu.memref_slice %arg3[%dma_start3A_112, %multiple_of3A_104] : memref<8x10240xf32, #tpu.memory_space<hbm>> -> memref<1x640xf32, #tpu.memory_space<hbm>>
    %dma_start3A_115 = tpu.memref_squeeze %dma_start3A_114 : memref<1x640xf32, #tpu.memory_space<hbm>> -> memref<640xf32, #tpu.memory_space<hbm>>
    %dma_start3A_116 = tpu.memref_slice %arg8[%multiple_of3A_104] : memref<10240xf32, #tpu.memory_space<vmem>> -> memref<640xf32, #tpu.memory_space<vmem>>
    %dma_start3A_117 = tpu.memref_slice %arg3[%dma_start3A_112, %multiple_of3A_104] : memref<8x10240xf32, #tpu.memory_space<hbm>> -> memref<1x640xf32, #tpu.memory_space<hbm>>
    %dma_start3A_118 = tpu.memref_squeeze %dma_start3A_117 : memref<1x640xf32, #tpu.memory_space<hbm>> -> memref<640xf32, #tpu.memory_space<hbm>>
    tpu.enqueue_dma source(%dma_start3A_118 : memref<640xf32, #tpu.memory_space<hbm>>) target(%dma_start3A_116 : memref<640xf32, #tpu.memory_space<vmem>>) target_semaphore(%arg14 : memref<!tpu.dma_semaphore, #tpu.memory_space<semaphore_mem>>)
    %add3A_119 = arith.constant 5 : i32
    %add3A_120 = arith.addi %arg1, %add3A_119 : i32
    %ge3A_121 = arith.constant 16 : i32
    %ge3A_122 = arith.cmpi sge, %add3A_120, %ge3A_121 : i32
    %sub3A_123 = arith.constant 16 : i32
    %sub3A_124 = arith.subi %add3A_120, %sub3A_123 : i32
    %select_n3A_125 = arith.select %ge3A_122, %sub3A_124, %add3A_120 : i32
    %mul3A_126 = arith.constant 640 : i32
    %mul3A_127 = arith.muli %select_n3A_125, %mul3A_126 : i32
    %multiple_of3A_128 = tpu.assume_multiple %mul3A_127, 8 : i32
    %dma_start3A_129 = arith.constant 0 : i32
    %dma_start3A_130 = tpu.memref_slice %arg7[%multiple_of3A_128] : memref<10240xf32, #tpu.memory_space<vmem>> -> memref<640xf32, #tpu.memory_space<vmem>>
    %dma_start3A_131 = tpu.memref_slice %arg2[%dma_start3A_129, %multiple_of3A_128] : memref<8x10240xf32, #tpu.memory_space<hbm>> -> memref<1x640xf32, #tpu.memory_space<hbm>>
    %dma_start3A_132 = tpu.memref_squeeze %dma_start3A_131 : memref<1x640xf32, #tpu.memory_space<hbm>> -> memref<640xf32, #tpu.memory_space<hbm>>
    %dma_start3A_133 = tpu.memref_slice %arg7[%multiple_of3A_128] : memref<10240xf32, #tpu.memory_space<vmem>> -> memref<640xf32, #tpu.memory_space<vmem>>
    %dma_start3A_134 = tpu.memref_slice %arg2[%dma_start3A_129, %multiple_of3A_128] : memref<8x10240xf32, #tpu.memory_space<hbm>> -> memref<1x640xf32, #tpu.memory_space<hbm>>
    %dma_start3A_135 = tpu.memref_squeeze %dma_start3A_134 : memref<1x640xf32, #tpu.memory_space<hbm>> -> memref<640xf32, #tpu.memory_space<hbm>>
    tpu.enqueue_dma source(%dma_start3A_135 : memref<640xf32, #tpu.memory_space<hbm>>) target(%dma_start3A_133 : memref<640xf32, #tpu.memory_space<vmem>>) target_semaphore(%arg14 : memref<!tpu.dma_semaphore, #tpu.memory_space<semaphore_mem>>)
    %dma_start3A_136 = arith.constant 0 : i32
    %dma_start3A_137 = tpu.memref_slice %arg8[%multiple_of3A_128] : memref<10240xf32, #tpu.memory_space<vmem>> -> memref<640xf32, #tpu.memory_space<vmem>>
    %dma_start3A_138 = tpu.memref_slice %arg3[%dma_start3A_136, %multiple_of3A_128] : memref<8x10240xf32, #tpu.memory_space<hbm>> -> memref<1x640xf32, #tpu.memory_space<hbm>>
    %dma_start3A_139 = tpu.memref_squeeze %dma_start3A_138 : memref<1x640xf32, #tpu.memory_space<hbm>> -> memref<640xf32, #tpu.memory_space<hbm>>
    %dma_start3A_140 = tpu.memref_slice %arg8[%multiple_of3A_128] : memref<10240xf32, #tpu.memory_space<vmem>> -> memref<640xf32, #tpu.memory_space<vmem>>
    %dma_start3A_141 = tpu.memref_slice %arg3[%dma_start3A_136, %multiple_of3A_128] : memref<8x10240xf32, #tpu.memory_space<hbm>> -> memref<1x640xf32, #tpu.memory_space<hbm>>
    %dma_start3A_142 = tpu.memref_squeeze %dma_start3A_141 : memref<1x640xf32, #tpu.memory_space<hbm>> -> memref<640xf32, #tpu.memory_space<hbm>>
    tpu.enqueue_dma source(%dma_start3A_142 : memref<640xf32, #tpu.memory_space<hbm>>) target(%dma_start3A_140 : memref<640xf32, #tpu.memory_space<vmem>>) target_semaphore(%arg14 : memref<!tpu.dma_semaphore, #tpu.memory_space<semaphore_mem>>)
    %add3A_143 = arith.constant 6 : i32
    %add3A_144 = arith.addi %arg1, %add3A_143 : i32
    %ge3A_145 = arith.constant 16 : i32
    %ge3A_146 = arith.cmpi sge, %add3A_144, %ge3A_145 : i32
    %sub3A_147 = arith.constant 16 : i32
    %sub3A_148 = arith.subi %add3A_144, %sub3A_147 : i32
    %select_n3A_149 = arith.select %ge3A_146, %sub3A_148, %add3A_144 : i32
    %mul3A_150 = arith.constant 640 : i32
    %mul3A_151 = arith.muli %select_n3A_149, %mul3A_150 : i32
    %multiple_of3A_152 = tpu.assume_multiple %mul3A_151, 8 : i32
    %dma_start3A_153 = arith.constant 0 : i32
    %dma_start3A_154 = tpu.memref_slice %arg7[%multiple_of3A_152] : memref<10240xf32, #tpu.memory_space<vmem>> -> memref<640xf32, #tpu.memory_space<vmem>>
    %dma_start3A_155 = tpu.memref_slice %arg2[%dma_start3A_153, %multiple_of3A_152] : memref<8x10240xf32, #tpu.memory_space<hbm>> -> memref<1x640xf32, #tpu.memory_space<hbm>>
    %dma_start3A_156 = tpu.memref_squeeze %dma_start3A_155 : memref<1x640xf32, #tpu.memory_space<hbm>> -> memref<640xf32, #tpu.memory_space<hbm>>
    %dma_start3A_157 = tpu.memref_slice %arg7[%multiple_of3A_152] : memref<10240xf32, #tpu.memory_space<vmem>> -> memref<640xf32, #tpu.memory_space<vmem>>
    %dma_start3A_158 = tpu.memref_slice %arg2[%dma_start3A_153, %multiple_of3A_152] : memref<8x10240xf32, #tpu.memory_space<hbm>> -> memref<1x640xf32, #tpu.memory_space<hbm>>
    %dma_start3A_159 = tpu.memref_squeeze %dma_start3A_158 : memref<1x640xf32, #tpu.memory_space<hbm>> -> memref<640xf32, #tpu.memory_space<hbm>>
    tpu.enqueue_dma source(%dma_start3A_159 : memref<640xf32, #tpu.memory_space<hbm>>) target(%dma_start3A_157 : memref<640xf32, #tpu.memory_space<vmem>>) target_semaphore(%arg14 : memref<!tpu.dma_semaphore, #tpu.memory_space<semaphore_mem>>)
    %dma_start3A_160 = arith.constant 0 : i32
    %dma_start3A_161 = tpu.memref_slice %arg8[%multiple_of3A_152] : memref<10240xf32, #tpu.memory_space<vmem>> -> memref<640xf32, #tpu.memory_space<vmem>>
    %dma_start3A_162 = tpu.memref_slice %arg3[%dma_start3A_160, %multiple_of3A_152] : memref<8x10240xf32, #tpu.memory_space<hbm>> -> memref<1x640xf32, #tpu.memory_space<hbm>>
    %dma_start3A_163 = tpu.memref_squeeze %dma_start3A_162 : memref<1x640xf32, #tpu.memory_space<hbm>> -> memref<640xf32, #tpu.memory_space<hbm>>
    %dma_start3A_164 = tpu.memref_slice %arg8[%multiple_of3A_152] : memref<10240xf32, #tpu.memory_space<vmem>> -> memref<640xf32, #tpu.memory_space<vmem>>
    %dma_start3A_165 = tpu.memref_slice %arg3[%dma_start3A_160, %multiple_of3A_152] : memref<8x10240xf32, #tpu.memory_space<hbm>> -> memref<1x640xf32, #tpu.memory_space<hbm>>
    %dma_start3A_166 = tpu.memref_squeeze %dma_start3A_165 : memref<1x640xf32, #tpu.memory_space<hbm>> -> memref<640xf32, #tpu.memory_space<hbm>>
    tpu.enqueue_dma source(%dma_start3A_166 : memref<640xf32, #tpu.memory_space<hbm>>) target(%dma_start3A_164 : memref<640xf32, #tpu.memory_space<vmem>>) target_semaphore(%arg14 : memref<!tpu.dma_semaphore, #tpu.memory_space<semaphore_mem>>)
    %add3A_167 = arith.constant 7 : i32
    %add3A_168 = arith.addi %arg1, %add3A_167 : i32
    %ge3A_169 = arith.constant 16 : i32
    %ge3A_170 = arith.cmpi sge, %add3A_168, %ge3A_169 : i32
    %sub3A_171 = arith.constant 16 : i32
    %sub3A_172 = arith.subi %add3A_168, %sub3A_171 : i32
    %select_n3A_173 = arith.select %ge3A_170, %sub3A_172, %add3A_168 : i32
    %mul3A_174 = arith.constant 640 : i32
    %mul3A_175 = arith.muli %select_n3A_173, %mul3A_174 : i32
    %multiple_of3A_176 = tpu.assume_multiple %mul3A_175, 8 : i32
    %dma_start3A_177 = arith.constant 0 : i32
    %dma_start3A_178 = tpu.memref_slice %arg7[%multiple_of3A_176] : memref<10240xf32, #tpu.memory_space<vmem>> -> memref<640xf32, #tpu.memory_space<vmem>>
    %dma_start3A_179 = tpu.memref_slice %arg2[%dma_start3A_177, %multiple_of3A_176] : memref<8x10240xf32, #tpu.memory_space<hbm>> -> memref<1x640xf32, #tpu.memory_space<hbm>>
    %dma_start3A_180 = tpu.memref_squeeze %dma_start3A_179 : memref<1x640xf32, #tpu.memory_space<hbm>> -> memref<640xf32, #tpu.memory_space<hbm>>
    %dma_start3A_181 = tpu.memref_slice %arg7[%multiple_of3A_176] : memref<10240xf32, #tpu.memory_space<vmem>> -> memref<640xf32, #tpu.memory_space<vmem>>
    %dma_start3A_182 = tpu.memref_slice %arg2[%dma_start3A_177, %multiple_of3A_176] : memref<8x10240xf32, #tpu.memory_space<hbm>> -> memref<1x640xf32, #tpu.memory_space<hbm>>
    %dma_start3A_183 = tpu.memref_squeeze %dma_start3A_182 : memref<1x640xf32, #tpu.memory_space<hbm>> -> memref<640xf32, #tpu.memory_space<hbm>>
    tpu.enqueue_dma source(%dma_start3A_183 : memref<640xf32, #tpu.memory_space<hbm>>) target(%dma_start3A_181 : memref<640xf32, #tpu.memory_space<vmem>>) target_semaphore(%arg14 : memref<!tpu.dma_semaphore, #tpu.memory_space<semaphore_mem>>)
    %dma_start3A_184 = arith.constant 0 : i32
    %dma_start3A_185 = tpu.memref_slice %arg8[%multiple_of3A_176] : memref<10240xf32, #tpu.memory_space<vmem>> -> memref<640xf32, #tpu.memory_space<vmem>>
    %dma_start3A_186 = tpu.memref_slice %arg3[%dma_start3A_184, %multiple_of3A_176] : memref<8x10240xf32, #tpu.memory_space<hbm>> -> memref<1x640xf32, #tpu.memory_space<hbm>>
    %dma_start3A_187 = tpu.memref_squeeze %dma_start3A_186 : memref<1x640xf32, #tpu.memory_space<hbm>> -> memref<640xf32, #tpu.memory_space<hbm>>
    %dma_start3A_188 = tpu.memref_slice %arg8[%multiple_of3A_176] : memref<10240xf32, #tpu.memory_space<vmem>> -> memref<640xf32, #tpu.memory_space<vmem>>
    %dma_start3A_189 = tpu.memref_slice %arg3[%dma_start3A_184, %multiple_of3A_176] : memref<8x10240xf32, #tpu.memory_space<hbm>> -> memref<1x640xf32, #tpu.memory_space<hbm>>
    %dma_start3A_190 = tpu.memref_squeeze %dma_start3A_189 : memref<1x640xf32, #tpu.memory_space<hbm>> -> memref<640xf32, #tpu.memory_space<hbm>>
    tpu.enqueue_dma source(%dma_start3A_190 : memref<640xf32, #tpu.memory_space<hbm>>) target(%dma_start3A_188 : memref<640xf32, #tpu.memory_space<vmem>>) target_semaphore(%arg14 : memref<!tpu.dma_semaphore, #tpu.memory_space<semaphore_mem>>)
    %add3A_191 = arith.constant 8 : i32
    %add3A_192 = arith.addi %arg1, %add3A_191 : i32
    %ge3A_193 = arith.constant 16 : i32
    %ge3A_194 = arith.cmpi sge, %add3A_192, %ge3A_193 : i32
    %sub3A_195 = arith.constant 16 : i32
    %sub3A_196 = arith.subi %add3A_192, %sub3A_195 : i32
    %select_n3A_197 = arith.select %ge3A_194, %sub3A_196, %add3A_192 : i32
    %mul3A_198 = arith.constant 640 : i32
    %mul3A_199 = arith.muli %select_n3A_197, %mul3A_198 : i32
    %multiple_of3A_200 = tpu.assume_multiple %mul3A_199, 8 : i32
    %dma_start3A_201 = arith.constant 0 : i32
    %dma_start3A_202 = tpu.memref_slice %arg7[%multiple_of3A_200] : memref<10240xf32, #tpu.memory_space<vmem>> -> memref<640xf32, #tpu.memory_space<vmem>>
    %dma_start3A_203 = tpu.memref_slice %arg2[%dma_start3A_201, %multiple_of3A_200] : memref<8x10240xf32, #tpu.memory_space<hbm>> -> memref<1x640xf32, #tpu.memory_space<hbm>>
    %dma_start3A_204 = tpu.memref_squeeze %dma_start3A_203 : memref<1x640xf32, #tpu.memory_space<hbm>> -> memref<640xf32, #tpu.memory_space<hbm>>
    %dma_start3A_205 = tpu.memref_slice %arg7[%multiple_of3A_200] : memref<10240xf32, #tpu.memory_space<vmem>> -> memref<640xf32, #tpu.memory_space<vmem>>
    %dma_start3A_206 = tpu.memref_slice %arg2[%dma_start3A_201, %multiple_of3A_200] : memref<8x10240xf32, #tpu.memory_space<hbm>> -> memref<1x640xf32, #tpu.memory_space<hbm>>
    %dma_start3A_207 = tpu.memref_squeeze %dma_start3A_206 : memref<1x640xf32, #tpu.memory_space<hbm>> -> memref<640xf32, #tpu.memory_space<hbm>>
    tpu.enqueue_dma source(%dma_start3A_207 : memref<640xf32, #tpu.memory_space<hbm>>) target(%dma_start3A_205 : memref<640xf32, #tpu.memory_space<vmem>>) target_semaphore(%arg14 : memref<!tpu.dma_semaphore, #tpu.memory_space<semaphore_mem>>)
    %dma_start3A_208 = arith.constant 0 : i32
    %dma_start3A_209 = tpu.memref_slice %arg8[%multiple_of3A_200] : memref<10240xf32, #tpu.memory_space<vmem>> -> memref<640xf32, #tpu.memory_space<vmem>>
    %dma_start3A_210 = tpu.memref_slice %arg3[%dma_start3A_208, %multiple_of3A_200] : memref<8x10240xf32, #tpu.memory_space<hbm>> -> memref<1x640xf32, #tpu.memory_space<hbm>>
    %dma_start3A_211 = tpu.memref_squeeze %dma_start3A_210 : memref<1x640xf32, #tpu.memory_space<hbm>> -> memref<640xf32, #tpu.memory_space<hbm>>
    %dma_start3A_212 = tpu.memref_slice %arg8[%multiple_of3A_200] : memref<10240xf32, #tpu.memory_space<vmem>> -> memref<640xf32, #tpu.memory_space<vmem>>
    %dma_start3A_213 = tpu.memref_slice %arg3[%dma_start3A_208, %multiple_of3A_200] : memref<8x10240xf32, #tpu.memory_space<hbm>> -> memref<1x640xf32, #tpu.memory_space<hbm>>
    %dma_start3A_214 = tpu.memref_squeeze %dma_start3A_213 : memref<1x640xf32, #tpu.memory_space<hbm>> -> memref<640xf32, #tpu.memory_space<hbm>>
    tpu.enqueue_dma source(%dma_start3A_214 : memref<640xf32, #tpu.memory_space<hbm>>) target(%dma_start3A_212 : memref<640xf32, #tpu.memory_space<vmem>>) target_semaphore(%arg14 : memref<!tpu.dma_semaphore, #tpu.memory_space<semaphore_mem>>)
    %add3A_215 = arith.constant 9 : i32
    %add3A_216 = arith.addi %arg1, %add3A_215 : i32
    %ge3A_217 = arith.constant 16 : i32
    %ge3A_218 = arith.cmpi sge, %add3A_216, %ge3A_217 : i32
    %sub3A_219 = arith.constant 16 : i32
    %sub3A_220 = arith.subi %add3A_216, %sub3A_219 : i32
    %select_n3A_221 = arith.select %ge3A_218, %sub3A_220, %add3A_216 : i32
    %mul3A_222 = arith.constant 640 : i32
    %mul3A_223 = arith.muli %select_n3A_221, %mul3A_222 : i32
    %multiple_of3A_224 = tpu.assume_multiple %mul3A_223, 8 : i32
    %dma_start3A_225 = arith.constant 0 : i32
    %dma_start3A_226 = tpu.memref_slice %arg7[%multiple_of3A_224] : memref<10240xf32, #tpu.memory_space<vmem>> -> memref<640xf32, #tpu.memory_space<vmem>>
    %dma_start3A_227 = tpu.memref_slice %arg2[%dma_start3A_225, %multiple_of3A_224] : memref<8x10240xf32, #tpu.memory_space<hbm>> -> memref<1x640xf32, #tpu.memory_space<hbm>>
    %dma_start3A_228 = tpu.memref_squeeze %dma_start3A_227 : memref<1x640xf32, #tpu.memory_space<hbm>> -> memref<640xf32, #tpu.memory_space<hbm>>
    %dma_start3A_229 = tpu.memref_slice %arg7[%multiple_of3A_224] : memref<10240xf32, #tpu.memory_space<vmem>> -> memref<640xf32, #tpu.memory_space<vmem>>
    %dma_start3A_230 = tpu.memref_slice %arg2[%dma_start3A_225, %multiple_of3A_224] : memref<8x10240xf32, #tpu.memory_space<hbm>> -> memref<1x640xf32, #tpu.memory_space<hbm>>
    %dma_start3A_231 = tpu.memref_squeeze %dma_start3A_230 : memref<1x640xf32, #tpu.memory_space<hbm>> -> memref<640xf32, #tpu.memory_space<hbm>>
    tpu.enqueue_dma source(%dma_start3A_231 : memref<640xf32, #tpu.memory_space<hbm>>) target(%dma_start3A_229 : memref<640xf32, #tpu.memory_space<vmem>>) target_semaphore(%arg14 : memref<!tpu.dma_semaphore, #tpu.memory_space<semaphore_mem>>)
    %dma_start3A_232 = arith.constant 0 : i32
    %dma_start3A_233 = tpu.memref_slice %arg8[%multiple_of3A_224] : memref<10240xf32, #tpu.memory_space<vmem>> -> memref<640xf32, #tpu.memory_space<vmem>>
    %dma_start3A_234 = tpu.memref_slice %arg3[%dma_start3A_232, %multiple_of3A_224] : memref<8x10240xf32, #tpu.memory_space<hbm>> -> memref<1x640xf32, #tpu.memory_space<hbm>>
    %dma_start3A_235 = tpu.memref_squeeze %dma_start3A_234 : memref<1x640xf32, #tpu.memory_space<hbm>> -> memref<640xf32, #tpu.memory_space<hbm>>
    %dma_start3A_236 = tpu.memref_slice %arg8[%multiple_of3A_224] : memref<10240xf32, #tpu.memory_space<vmem>> -> memref<640xf32, #tpu.memory_space<vmem>>
    %dma_start3A_237 = tpu.memref_slice %arg3[%dma_start3A_232, %multiple_of3A_224] : memref<8x10240xf32, #tpu.memory_space<hbm>> -> memref<1x640xf32, #tpu.memory_space<hbm>>
    %dma_start3A_238 = tpu.memref_squeeze %dma_start3A_237 : memref<1x640xf32, #tpu.memory_space<hbm>> -> memref<640xf32, #tpu.memory_space<hbm>>
    tpu.enqueue_dma source(%dma_start3A_238 : memref<640xf32, #tpu.memory_space<hbm>>) target(%dma_start3A_236 : memref<640xf32, #tpu.memory_space<vmem>>) target_semaphore(%arg14 : memref<!tpu.dma_semaphore, #tpu.memory_space<semaphore_mem>>)
    %add3A_239 = arith.constant 10 : i32
    %add3A_240 = arith.addi %arg1, %add3A_239 : i32
    %ge3A_241 = arith.constant 16 : i32
    %ge3A_242 = arith.cmpi sge, %add3A_240, %ge3A_241 : i32
    %sub3A_243 = arith.constant 16 : i32
    %sub3A_244 = arith.subi %add3A_240, %sub3A_243 : i32
    %select_n3A_245 = arith.select %ge3A_242, %sub3A_244, %add3A_240 : i32
    %mul3A_246 = arith.constant 640 : i32
    %mul3A_247 = arith.muli %select_n3A_245, %mul3A_246 : i32
    %multiple_of3A_248 = tpu.assume_multiple %mul3A_247, 8 : i32
    %dma_start3A_249 = arith.constant 0 : i32
    %dma_start3A_250 = tpu.memref_slice %arg7[%multiple_of3A_248] : memref<10240xf32, #tpu.memory_space<vmem>> -> memref<640xf32, #tpu.memory_space<vmem>>
    %dma_start3A_251 = tpu.memref_slice %arg2[%dma_start3A_249, %multiple_of3A_248] : memref<8x10240xf32, #tpu.memory_space<hbm>> -> memref<1x640xf32, #tpu.memory_space<hbm>>
    %dma_start3A_252 = tpu.memref_squeeze %dma_start3A_251 : memref<1x640xf32, #tpu.memory_space<hbm>> -> memref<640xf32, #tpu.memory_space<hbm>>
    %dma_start3A_253 = tpu.memref_slice %arg7[%multiple_of3A_248] : memref<10240xf32, #tpu.memory_space<vmem>> -> memref<640xf32, #tpu.memory_space<vmem>>
    %dma_start3A_254 = tpu.memref_slice %arg2[%dma_start3A_249, %multiple_of3A_248] : memref<8x10240xf32, #tpu.memory_space<hbm>> -> memref<1x640xf32, #tpu.memory_space<hbm>>
    %dma_start3A_255 = tpu.memref_squeeze %dma_start3A_254 : memref<1x640xf32, #tpu.memory_space<hbm>> -> memref<640xf32, #tpu.memory_space<hbm>>
    tpu.enqueue_dma source(%dma_start3A_255 : memref<640xf32, #tpu.memory_space<hbm>>) target(%dma_start3A_253 : memref<640xf32, #tpu.memory_space<vmem>>) target_semaphore(%arg14 : memref<!tpu.dma_semaphore, #tpu.memory_space<semaphore_mem>>)
    %dma_start3A_256 = arith.constant 0 : i32
    %dma_start3A_257 = tpu.memref_slice %arg8[%multiple_of3A_248] : memref<10240xf32, #tpu.memory_space<vmem>> -> memref<640xf32, #tpu.memory_space<vmem>>
    %dma_start3A_258 = tpu.memref_slice %arg3[%dma_start3A_256, %multiple_of3A_248] : memref<8x10240xf32, #tpu.memory_space<hbm>> -> memref<1x640xf32, #tpu.memory_space<hbm>>
    %dma_start3A_259 = tpu.memref_squeeze %dma_start3A_258 : memref<1x640xf32, #tpu.memory_space<hbm>> -> memref<640xf32, #tpu.memory_space<hbm>>
    %dma_start3A_260 = tpu.memref_slice %arg8[%multiple_of3A_248] : memref<10240xf32, #tpu.memory_space<vmem>> -> memref<640xf32, #tpu.memory_space<vmem>>
    %dma_start3A_261 = tpu.memref_slice %arg3[%dma_start3A_256, %multiple_of3A_248] : memref<8x10240xf32, #tpu.memory_space<hbm>> -> memref<1x640xf32, #tpu.memory_space<hbm>>
    %dma_start3A_262 = tpu.memref_squeeze %dma_start3A_261 : memref<1x640xf32, #tpu.memory_space<hbm>> -> memref<640xf32, #tpu.memory_space<hbm>>
    tpu.enqueue_dma source(%dma_start3A_262 : memref<640xf32, #tpu.memory_space<hbm>>) target(%dma_start3A_260 : memref<640xf32, #tpu.memory_space<vmem>>) target_semaphore(%arg14 : memref<!tpu.dma_semaphore, #tpu.memory_space<semaphore_mem>>)
    %add3A_263 = arith.constant 11 : i32
    %add3A_264 = arith.addi %arg1, %add3A_263 : i32
    %ge3A_265 = arith.constant 16 : i32
    %ge3A_266 = arith.cmpi sge, %add3A_264, %ge3A_265 : i32
    %sub3A_267 = arith.constant 16 : i32
    %sub3A_268 = arith.subi %add3A_264, %sub3A_267 : i32
    %select_n3A_269 = arith.select %ge3A_266, %sub3A_268, %add3A_264 : i32
    %mul3A_270 = arith.constant 640 : i32
    %mul3A_271 = arith.muli %select_n3A_269, %mul3A_270 : i32
    %multiple_of3A_272 = tpu.assume_multiple %mul3A_271, 8 : i32
    %dma_start3A_273 = arith.constant 0 : i32
    %dma_start3A_274 = tpu.memref_slice %arg7[%multiple_of3A_272] : memref<10240xf32, #tpu.memory_space<vmem>> -> memref<640xf32, #tpu.memory_space<vmem>>
    %dma_start3A_275 = tpu.memref_slice %arg2[%dma_start3A_273, %multiple_of3A_272] : memref<8x10240xf32, #tpu.memory_space<hbm>> -> memref<1x640xf32, #tpu.memory_space<hbm>>
    %dma_start3A_276 = tpu.memref_squeeze %dma_start3A_275 : memref<1x640xf32, #tpu.memory_space<hbm>> -> memref<640xf32, #tpu.memory_space<hbm>>
    %dma_start3A_277 = tpu.memref_slice %arg7[%multiple_of3A_272] : memref<10240xf32, #tpu.memory_space<vmem>> -> memref<640xf32, #tpu.memory_space<vmem>>
    %dma_start3A_278 = tpu.memref_slice %arg2[%dma_start3A_273, %multiple_of3A_272] : memref<8x10240xf32, #tpu.memory_space<hbm>> -> memref<1x640xf32, #tpu.memory_space<hbm>>
    %dma_start3A_279 = tpu.memref_squeeze %dma_start3A_278 : memref<1x640xf32, #tpu.memory_space<hbm>> -> memref<640xf32, #tpu.memory_space<hbm>>
    tpu.enqueue_dma source(%dma_start3A_279 : memref<640xf32, #tpu.memory_space<hbm>>) target(%dma_start3A_277 : memref<640xf32, #tpu.memory_space<vmem>>) target_semaphore(%arg14 : memref<!tpu.dma_semaphore, #tpu.memory_space<semaphore_mem>>)
    %dma_start3A_280 = arith.constant 0 : i32
    %dma_start3A_281 = tpu.memref_slice %arg8[%multiple_of3A_272] : memref<10240xf32, #tpu.memory_space<vmem>> -> memref<640xf32, #tpu.memory_space<vmem>>
    %dma_start3A_282 = tpu.memref_slice %arg3[%dma_start3A_280, %multiple_of3A_272] : memref<8x10240xf32, #tpu.memory_space<hbm>> -> memref<1x640xf32, #tpu.memory_space<hbm>>
    %dma_start3A_283 = tpu.memref_squeeze %dma_start3A_282 : memref<1x640xf32, #tpu.memory_space<hbm>> -> memref<640xf32, #tpu.memory_space<hbm>>
    %dma_start3A_284 = tpu.memref_slice %arg8[%multiple_of3A_272] : memref<10240xf32, #tpu.memory_space<vmem>> -> memref<640xf32, #tpu.memory_space<vmem>>
    %dma_start3A_285 = tpu.memref_slice %arg3[%dma_start3A_280, %multiple_of3A_272] : memref<8x10240xf32, #tpu.memory_space<hbm>> -> memref<1x640xf32, #tpu.memory_space<hbm>>
    %dma_start3A_286 = tpu.memref_squeeze %dma_start3A_285 : memref<1x640xf32, #tpu.memory_space<hbm>> -> memref<640xf32, #tpu.memory_space<hbm>>
    tpu.enqueue_dma source(%dma_start3A_286 : memref<640xf32, #tpu.memory_space<hbm>>) target(%dma_start3A_284 : memref<640xf32, #tpu.memory_space<vmem>>) target_semaphore(%arg14 : memref<!tpu.dma_semaphore, #tpu.memory_space<semaphore_mem>>)
    %add3A_287 = arith.constant 12 : i32
    %add3A_288 = arith.addi %arg1, %add3A_287 : i32
    %ge3A_289 = arith.constant 16 : i32
    %ge3A_290 = arith.cmpi sge, %add3A_288, %ge3A_289 : i32
    %sub3A_291 = arith.constant 16 : i32
    %sub3A_292 = arith.subi %add3A_288, %sub3A_291 : i32
    %select_n3A_293 = arith.select %ge3A_290, %sub3A_292, %add3A_288 : i32
    %mul3A_294 = arith.constant 640 : i32
    %mul3A_295 = arith.muli %select_n3A_293, %mul3A_294 : i32
    %multiple_of3A_296 = tpu.assume_multiple %mul3A_295, 8 : i32
    %dma_start3A_297 = arith.constant 0 : i32
    %dma_start3A_298 = tpu.memref_slice %arg7[%multiple_of3A_296] : memref<10240xf32, #tpu.memory_space<vmem>> -> memref<640xf32, #tpu.memory_space<vmem>>
    %dma_start3A_299 = tpu.memref_slice %arg2[%dma_start3A_297, %multiple_of3A_296] : memref<8x10240xf32, #tpu.memory_space<hbm>> -> memref<1x640xf32, #tpu.memory_space<hbm>>
    %dma_start3A_300 = tpu.memref_squeeze %dma_start3A_299 : memref<1x640xf32, #tpu.memory_space<hbm>> -> memref<640xf32, #tpu.memory_space<hbm>>
    %dma_start3A_301 = tpu.memref_slice %arg7[%multiple_of3A_296] : memref<10240xf32, #tpu.memory_space<vmem>> -> memref<640xf32, #tpu.memory_space<vmem>>
    %dma_start3A_302 = tpu.memref_slice %arg2[%dma_start3A_297, %multiple_of3A_296] : memref<8x10240xf32, #tpu.memory_space<hbm>> -> memref<1x640xf32, #tpu.memory_space<hbm>>
    %dma_start3A_303 = tpu.memref_squeeze %dma_start3A_302 : memref<1x640xf32, #tpu.memory_space<hbm>> -> memref<640xf32, #tpu.memory_space<hbm>>
    tpu.enqueue_dma source(%dma_start3A_303 : memref<640xf32, #tpu.memory_space<hbm>>) target(%dma_start3A_301 : memref<640xf32, #tpu.memory_space<vmem>>) target_semaphore(%arg14 : memref<!tpu.dma_semaphore, #tpu.memory_space<semaphore_mem>>)
    %dma_start3A_304 = arith.constant 0 : i32
    %dma_start3A_305 = tpu.memref_slice %arg8[%multiple_of3A_296] : memref<10240xf32, #tpu.memory_space<vmem>> -> memref<640xf32, #tpu.memory_space<vmem>>
    %dma_start3A_306 = tpu.memref_slice %arg3[%dma_start3A_304, %multiple_of3A_296] : memref<8x10240xf32, #tpu.memory_space<hbm>> -> memref<1x640xf32, #tpu.memory_space<hbm>>
    %dma_start3A_307 = tpu.memref_squeeze %dma_start3A_306 : memref<1x640xf32, #tpu.memory_space<hbm>> -> memref<640xf32, #tpu.memory_space<hbm>>
    %dma_start3A_308 = tpu.memref_slice %arg8[%multiple_of3A_296] : memref<10240xf32, #tpu.memory_space<vmem>> -> memref<640xf32, #tpu.memory_space<vmem>>
    %dma_start3A_309 = tpu.memref_slice %arg3[%dma_start3A_304, %multiple_of3A_296] : memref<8x10240xf32, #tpu.memory_space<hbm>> -> memref<1x640xf32, #tpu.memory_space<hbm>>
    %dma_start3A_310 = tpu.memref_squeeze %dma_start3A_309 : memref<1x640xf32, #tpu.memory_space<hbm>> -> memref<640xf32, #tpu.memory_space<hbm>>
    tpu.enqueue_dma source(%dma_start3A_310 : memref<640xf32, #tpu.memory_space<hbm>>) target(%dma_start3A_308 : memref<640xf32, #tpu.memory_space<vmem>>) target_semaphore(%arg14 : memref<!tpu.dma_semaphore, #tpu.memory_space<semaphore_mem>>)
    %add3A_311 = arith.constant 13 : i32
    %add3A_312 = arith.addi %arg1, %add3A_311 : i32
    %ge3A_313 = arith.constant 16 : i32
    %ge3A_314 = arith.cmpi sge, %add3A_312, %ge3A_313 : i32
    %sub3A_315 = arith.constant 16 : i32
    %sub3A_316 = arith.subi %add3A_312, %sub3A_315 : i32
    %select_n3A_317 = arith.select %ge3A_314, %sub3A_316, %add3A_312 : i32
    %mul3A_318 = arith.constant 640 : i32
    %mul3A_319 = arith.muli %select_n3A_317, %mul3A_318 : i32
    %multiple_of3A_320 = tpu.assume_multiple %mul3A_319, 8 : i32
    %dma_start3A_321 = arith.constant 0 : i32
    %dma_start3A_322 = tpu.memref_slice %arg7[%multiple_of3A_320] : memref<10240xf32, #tpu.memory_space<vmem>> -> memref<640xf32, #tpu.memory_space<vmem>>
    %dma_start3A_323 = tpu.memref_slice %arg2[%dma_start3A_321, %multiple_of3A_320] : memref<8x10240xf32, #tpu.memory_space<hbm>> -> memref<1x640xf32, #tpu.memory_space<hbm>>
    %dma_start3A_324 = tpu.memref_squeeze %dma_start3A_323 : memref<1x640xf32, #tpu.memory_space<hbm>> -> memref<640xf32, #tpu.memory_space<hbm>>
    %dma_start3A_325 = tpu.memref_slice %arg7[%multiple_of3A_320] : memref<10240xf32, #tpu.memory_space<vmem>> -> memref<640xf32, #tpu.memory_space<vmem>>
    %dma_start3A_326 = tpu.memref_slice %arg2[%dma_start3A_321, %multiple_of3A_320] : memref<8x10240xf32, #tpu.memory_space<hbm>> -> memref<1x640xf32, #tpu.memory_space<hbm>>
    %dma_start3A_327 = tpu.memref_squeeze %dma_start3A_326 : memref<1x640xf32, #tpu.memory_space<hbm>> -> memref<640xf32, #tpu.memory_space<hbm>>
    tpu.enqueue_dma source(%dma_start3A_327 : memref<640xf32, #tpu.memory_space<hbm>>) target(%dma_start3A_325 : memref<640xf32, #tpu.memory_space<vmem>>) target_semaphore(%arg14 : memref<!tpu.dma_semaphore, #tpu.memory_space<semaphore_mem>>)
    %dma_start3A_328 = arith.constant 0 : i32
    %dma_start3A_329 = tpu.memref_slice %arg8[%multiple_of3A_320] : memref<10240xf32, #tpu.memory_space<vmem>> -> memref<640xf32, #tpu.memory_space<vmem>>
    %dma_start3A_330 = tpu.memref_slice %arg3[%dma_start3A_328, %multiple_of3A_320] : memref<8x10240xf32, #tpu.memory_space<hbm>> -> memref<1x640xf32, #tpu.memory_space<hbm>>
    %dma_start3A_331 = tpu.memref_squeeze %dma_start3A_330 : memref<1x640xf32, #tpu.memory_space<hbm>> -> memref<640xf32, #tpu.memory_space<hbm>>
    %dma_start3A_332 = tpu.memref_slice %arg8[%multiple_of3A_320] : memref<10240xf32, #tpu.memory_space<vmem>> -> memref<640xf32, #tpu.memory_space<vmem>>
    %dma_start3A_333 = tpu.memref_slice %arg3[%dma_start3A_328, %multiple_of3A_320] : memref<8x10240xf32, #tpu.memory_space<hbm>> -> memref<1x640xf32, #tpu.memory_space<hbm>>
    %dma_start3A_334 = tpu.memref_squeeze %dma_start3A_333 : memref<1x640xf32, #tpu.memory_space<hbm>> -> memref<640xf32, #tpu.memory_space<hbm>>
    tpu.enqueue_dma source(%dma_start3A_334 : memref<640xf32, #tpu.memory_space<hbm>>) target(%dma_start3A_332 : memref<640xf32, #tpu.memory_space<vmem>>) target_semaphore(%arg14 : memref<!tpu.dma_semaphore, #tpu.memory_space<semaphore_mem>>)
    %add3A_335 = arith.constant 14 : i32
    %add3A_336 = arith.addi %arg1, %add3A_335 : i32
    %ge3A_337 = arith.constant 16 : i32
    %ge3A_338 = arith.cmpi sge, %add3A_336, %ge3A_337 : i32
    %sub3A_339 = arith.constant 16 : i32
    %sub3A_340 = arith.subi %add3A_336, %sub3A_339 : i32
    %select_n3A_341 = arith.select %ge3A_338, %sub3A_340, %add3A_336 : i32
    %mul3A_342 = arith.constant 640 : i32
    %mul3A_343 = arith.muli %select_n3A_341, %mul3A_342 : i32
    %multiple_of3A_344 = tpu.assume_multiple %mul3A_343, 8 : i32
    %dma_start3A_345 = arith.constant 0 : i32
    %dma_start3A_346 = tpu.memref_slice %arg7[%multiple_of3A_344] : memref<10240xf32, #tpu.memory_space<vmem>> -> memref<640xf32, #tpu.memory_space<vmem>>
    %dma_start3A_347 = tpu.memref_slice %arg2[%dma_start3A_345, %multiple_of3A_344] : memref<8x10240xf32, #tpu.memory_space<hbm>> -> memref<1x640xf32, #tpu.memory_space<hbm>>
    %dma_start3A_348 = tpu.memref_squeeze %dma_start3A_347 : memref<1x640xf32, #tpu.memory_space<hbm>> -> memref<640xf32, #tpu.memory_space<hbm>>
    %dma_start3A_349 = tpu.memref_slice %arg7[%multiple_of3A_344] : memref<10240xf32, #tpu.memory_space<vmem>> -> memref<640xf32, #tpu.memory_space<vmem>>
    %dma_start3A_350 = tpu.memref_slice %arg2[%dma_start3A_345, %multiple_of3A_344] : memref<8x10240xf32, #tpu.memory_space<hbm>> -> memref<1x640xf32, #tpu.memory_space<hbm>>
    %dma_start3A_351 = tpu.memref_squeeze %dma_start3A_350 : memref<1x640xf32, #tpu.memory_space<hbm>> -> memref<640xf32, #tpu.memory_space<hbm>>
    tpu.enqueue_dma source(%dma_start3A_351 : memref<640xf32, #tpu.memory_space<hbm>>) target(%dma_start3A_349 : memref<640xf32, #tpu.memory_space<vmem>>) target_semaphore(%arg14 : memref<!tpu.dma_semaphore, #tpu.memory_space<semaphore_mem>>)
    %dma_start3A_352 = arith.constant 0 : i32
    %dma_start3A_353 = tpu.memref_slice %arg8[%multiple_of3A_344] : memref<10240xf32, #tpu.memory_space<vmem>> -> memref<640xf32, #tpu.memory_space<vmem>>
    %dma_start3A_354 = tpu.memref_slice %arg3[%dma_start3A_352, %multiple_of3A_344] : memref<8x10240xf32, #tpu.memory_space<hbm>> -> memref<1x640xf32, #tpu.memory_space<hbm>>
    %dma_start3A_355 = tpu.memref_squeeze %dma_start3A_354 : memref<1x640xf32, #tpu.memory_space<hbm>> -> memref<640xf32, #tpu.memory_space<hbm>>
    %dma_start3A_356 = tpu.memref_slice %arg8[%multiple_of3A_344] : memref<10240xf32, #tpu.memory_space<vmem>> -> memref<640xf32, #tpu.memory_space<vmem>>
    %dma_start3A_357 = tpu.memref_slice %arg3[%dma_start3A_352, %multiple_of3A_344] : memref<8x10240xf32, #tpu.memory_space<hbm>> -> memref<1x640xf32, #tpu.memory_space<hbm>>
    %dma_start3A_358 = tpu.memref_squeeze %dma_start3A_357 : memref<1x640xf32, #tpu.memory_space<hbm>> -> memref<640xf32, #tpu.memory_space<hbm>>
    tpu.enqueue_dma source(%dma_start3A_358 : memref<640xf32, #tpu.memory_space<hbm>>) target(%dma_start3A_356 : memref<640xf32, #tpu.memory_space<vmem>>) target_semaphore(%arg14 : memref<!tpu.dma_semaphore, #tpu.memory_space<semaphore_mem>>)
    %add3A_359 = arith.constant 15 : i32
    %add3A_360 = arith.addi %arg1, %add3A_359 : i32
    %ge3A_361 = arith.constant 16 : i32
    %ge3A_362 = arith.cmpi sge, %add3A_360, %ge3A_361 : i32
    %sub3A_363 = arith.constant 16 : i32
    %sub3A_364 = arith.subi %add3A_360, %sub3A_363 : i32
    %select_n3A_365 = arith.select %ge3A_362, %sub3A_364, %add3A_360 : i32
    %mul3A_366 = arith.constant 640 : i32
    %mul3A_367 = arith.muli %select_n3A_365, %mul3A_366 : i32
    %multiple_of3A_368 = tpu.assume_multiple %mul3A_367, 8 : i32
    %dma_start3A_369 = arith.constant 0 : i32
    %dma_start3A_370 = tpu.memref_slice %arg7[%multiple_of3A_368] : memref<10240xf32, #tpu.memory_space<vmem>> -> memref<640xf32, #tpu.memory_space<vmem>>
    %dma_start3A_371 = tpu.memref_slice %arg2[%dma_start3A_369, %multiple_of3A_368] : memref<8x10240xf32, #tpu.memory_space<hbm>> -> memref<1x640xf32, #tpu.memory_space<hbm>>
    %dma_start3A_372 = tpu.memref_squeeze %dma_start3A_371 : memref<1x640xf32, #tpu.memory_space<hbm>> -> memref<640xf32, #tpu.memory_space<hbm>>
    %dma_start3A_373 = tpu.memref_slice %arg7[%multiple_of3A_368] : memref<10240xf32, #tpu.memory_space<vmem>> -> memref<640xf32, #tpu.memory_space<vmem>>
    %dma_start3A_374 = tpu.memref_slice %arg2[%dma_start3A_369, %multiple_of3A_368] : memref<8x10240xf32, #tpu.memory_space<hbm>> -> memref<1x640xf32, #tpu.memory_space<hbm>>
    %dma_start3A_375 = tpu.memref_squeeze %dma_start3A_374 : memref<1x640xf32, #tpu.memory_space<hbm>> -> memref<640xf32, #tpu.memory_space<hbm>>
    tpu.enqueue_dma source(%dma_start3A_375 : memref<640xf32, #tpu.memory_space<hbm>>) target(%dma_start3A_373 : memref<640xf32, #tpu.memory_space<vmem>>) target_semaphore(%arg14 : memref<!tpu.dma_semaphore, #tpu.memory_space<semaphore_mem>>)
    %dma_start3A_376 = arith.constant 0 : i32
    %dma_start3A_377 = tpu.memref_slice %arg8[%multiple_of3A_368] : memref<10240xf32, #tpu.memory_space<vmem>> -> memref<640xf32, #tpu.memory_space<vmem>>
    %dma_start3A_378 = tpu.memref_slice %arg3[%dma_start3A_376, %multiple_of3A_368] : memref<8x10240xf32, #tpu.memory_space<hbm>> -> memref<1x640xf32, #tpu.memory_space<hbm>>
    %dma_start3A_379 = tpu.memref_squeeze %dma_start3A_378 : memref<1x640xf32, #tpu.memory_space<hbm>> -> memref<640xf32, #tpu.memory_space<hbm>>
    %dma_start3A_380 = tpu.memref_slice %arg8[%multiple_of3A_368] : memref<10240xf32, #tpu.memory_space<vmem>> -> memref<640xf32, #tpu.memory_space<vmem>>
    %dma_start3A_381 = tpu.memref_slice %arg3[%dma_start3A_376, %multiple_of3A_368] : memref<8x10240xf32, #tpu.memory_space<hbm>> -> memref<1x640xf32, #tpu.memory_space<hbm>>
    %dma_start3A_382 = tpu.memref_squeeze %dma_start3A_381 : memref<1x640xf32, #tpu.memory_space<hbm>> -> memref<640xf32, #tpu.memory_space<hbm>>
    tpu.enqueue_dma source(%dma_start3A_382 : memref<640xf32, #tpu.memory_space<hbm>>) target(%dma_start3A_380 : memref<640xf32, #tpu.memory_space<vmem>>) target_semaphore(%arg14 : memref<!tpu.dma_semaphore, #tpu.memory_space<semaphore_mem>>)
    %lt3A = arith.constant 31 : i32
    %lt3A_383 = arith.cmpi slt, %add3A, %lt3A : i32
    %convert_element_type3A = arith.extui %lt3A_383 : i1 to i32
    %cond3A = arith.constant 0 : i32
    %cond3A_384 = arith.cmpi ne, %convert_element_type3A, %cond3A : i32
    scf.if %cond3A_384 {
      %dma_start3A_536 = arith.constant 0 : i32
      %dma_start3A_537 = arith.constant 0 : i32
      %dma_start3A_538 = tpu.memref_slice %arg5[%multiple_of3A, %dma_start3A_536, %dma_start3A_537] : memref<2500x2x128xi32, #tpu.memory_space<hbm>> -> memref<80x2x128xi32, #tpu.memory_space<hbm>>
      %dma_start3A_539 = arith.constant 0 : i32
      %dma_start3A_540 = arith.constant 0 : i32
      %dma_start3A_541 = tpu.memref_slice %arg5[%multiple_of3A, %dma_start3A_539, %dma_start3A_540] : memref<2500x2x128xi32, #tpu.memory_space<hbm>> -> memref<80x2x128xi32, #tpu.memory_space<hbm>>
      tpu.enqueue_dma source(%dma_start3A_541 : memref<80x2x128xi32, #tpu.memory_space<hbm>>) target(%arg10 : memref<80x2x128xi32, #tpu.memory_space<vmem>>) target_semaphore(%arg14 : memref<!tpu.dma_semaphore, #tpu.memory_space<semaphore_mem>>)
    } else {
    }
    %eq3A = arith.constant 31 : i32
    %eq3A_385 = arith.cmpi eq, %add3A, %eq3A : i32
    %convert_element_type3A_386 = arith.extui %eq3A_385 : i1 to i32
    %cond3A_387 = arith.constant 0 : i32
    %cond3A_388 = arith.cmpi ne, %convert_element_type3A_386, %cond3A_387 : i32
    scf.if %cond3A_388 {
      %dma_start3A_536 = arith.constant 0 : i32
      %dma_start3A_537 = arith.constant 0 : i32
      %dma_start3A_538 = arith.constant 0 : i32
      %dma_start3A_539 = tpu.memref_slice %arg10[%dma_start3A_536, %dma_start3A_537, %dma_start3A_538] : memref<80x2x128xi32, #tpu.memory_space<vmem>> -> memref<20x2x128xi32, #tpu.memory_space<vmem>>
      %dma_start3A_540 = arith.constant 0 : i32
      %dma_start3A_541 = arith.constant 0 : i32
      %dma_start3A_542 = tpu.memref_slice %arg5[%multiple_of3A, %dma_start3A_540, %dma_start3A_541] : memref<2500x2x128xi32, #tpu.memory_space<hbm>> -> memref<20x2x128xi32, #tpu.memory_space<hbm>>
      %dma_start3A_543 = arith.constant 0 : i32
      %dma_start3A_544 = arith.constant 0 : i32
      %dma_start3A_545 = arith.constant 0 : i32
      %dma_start3A_546 = tpu.memref_slice %arg10[%dma_start3A_543, %dma_start3A_544, %dma_start3A_545] : memref<80x2x128xi32, #tpu.memory_space<vmem>> -> memref<20x2x128xi32, #tpu.memory_space<vmem>>
      %dma_start3A_547 = arith.constant 0 : i32
      %dma_start3A_548 = arith.constant 0 : i32
      %dma_start3A_549 = tpu.memref_slice %arg5[%multiple_of3A, %dma_start3A_547, %dma_start3A_548] : memref<2500x2x128xi32, #tpu.memory_space<hbm>> -> memref<20x2x128xi32, #tpu.memory_space<hbm>>
      tpu.enqueue_dma source(%dma_start3A_549 : memref<20x2x128xi32, #tpu.memory_space<hbm>>) target(%dma_start3A_546 : memref<20x2x128xi32, #tpu.memory_space<vmem>>) target_semaphore(%arg14 : memref<!tpu.dma_semaphore, #tpu.memory_space<semaphore_mem>>)
    } else {
    }
    "tpu.region"() ({
      %run_scoped3A = tpu.sem_alloc : memref<!tpu.dma_semaphore, #tpu.memory_space<semaphore_mem>>
      tpu.enqueue_dma source(%arg4 : memref<8x128xf32, #tpu.memory_space<hbm>>) target(%arg9 : memref<8x128xf32, #tpu.memory_space<vmem>>) target_semaphore(%run_scoped3A : memref<!tpu.dma_semaphore, #tpu.memory_space<semaphore_mem>>)
      tpu.wait_dma2 semaphore(%run_scoped3A : memref<!tpu.dma_semaphore, #tpu.memory_space<semaphore_mem>>) src(%arg4 : memref<8x128xf32, #tpu.memory_space<hbm>>) dst(%arg9 : memref<8x128xf32, #tpu.memory_space<vmem>>)
      tpu.yield
    }) : () -> ()
    %broadcast_in_dim3A = arith.constant 0.000000e+00 : f32
    %broadcast_in_dim3A_389 = vector.broadcast %broadcast_in_dim3A : f32 to vector<16xf32>
    %swap3A = arith.constant 0 : index
    %swap3A_390 = tpu.vector_load %arg12[%swap3A] {strides = array<i32>} : memref<640xf32, #tpu.memory_space<vmem>>, vector<16xf32>,
    tpu.vector_store %arg12[%swap3A], %broadcast_in_dim3A_389 {strides = array<i32>} : memref<640xf32, #tpu.memory_space<vmem>>, vector<16xf32>,
    %swap3A_391 = arith.constant 16 : index
    %swap3A_392 = tpu.vector_load %arg12[%swap3A_391] {strides = array<i32>} : memref<640xf32, #tpu.memory_space<vmem>>, vector<16xf32>,
    tpu.vector_store %arg12[%swap3A_391], %broadcast_in_dim3A_389 {strides = array<i32>} : memref<640xf32, #tpu.memory_space<vmem>>, vector<16xf32>,
    %swap3A_393 = arith.constant 32 : index
    %swap3A_394 = tpu.vector_load %arg12[%swap3A_393] {strides = array<i32>} : memref<640xf32, #tpu.memory_space<vmem>>, vector<16xf32>,
    tpu.vector_store %arg12[%swap3A_393], %broadcast_in_dim3A_389 {strides = array<i32>} : memref<640xf32, #tpu.memory_space<vmem>>, vector<16xf32>,
    %swap3A_395 = arith.constant 48 : index
    %swap3A_396 = tpu.vector_load %arg12[%swap3A_395] {strides = array<i32>} : memref<640xf32, #tpu.memory_space<vmem>>, vector<16xf32>,
    tpu.vector_store %arg12[%swap3A_395], %broadcast_in_dim3A_389 {strides = array<i32>} : memref<640xf32, #tpu.memory_space<vmem>>, vector<16xf32>,
    %swap3A_397 = arith.constant 64 : index
    %swap3A_398 = tpu.vector_load %arg12[%swap3A_397] {strides = array<i32>} : memref<640xf32, #tpu.memory_space<vmem>>, vector<16xf32>,
    tpu.vector_store %arg12[%swap3A_397], %broadcast_in_dim3A_389 {strides = array<i32>} : memref<640xf32, #tpu.memory_space<vmem>>, vector<16xf32>,
    %swap3A_399 = arith.constant 80 : index
    %swap3A_400 = tpu.vector_load %arg12[%swap3A_399] {strides = array<i32>} : memref<640xf32, #tpu.memory_space<vmem>>, vector<16xf32>,
    tpu.vector_store %arg12[%swap3A_399], %broadcast_in_dim3A_389 {strides = array<i32>} : memref<640xf32, #tpu.memory_space<vmem>>, vector<16xf32>,
    %swap3A_401 = arith.constant 96 : index
    %swap3A_402 = tpu.vector_load %arg12[%swap3A_401] {strides = array<i32>} : memref<640xf32, #tpu.memory_space<vmem>>, vector<16xf32>,
    tpu.vector_store %arg12[%swap3A_401], %broadcast_in_dim3A_389 {strides = array<i32>} : memref<640xf32, #tpu.memory_space<vmem>>, vector<16xf32>,
    %swap3A_403 = arith.constant 112 : index
    %swap3A_404 = tpu.vector_load %arg12[%swap3A_403] {strides = array<i32>} : memref<640xf32, #tpu.memory_space<vmem>>, vector<16xf32>,
    tpu.vector_store %arg12[%swap3A_403], %broadcast_in_dim3A_389 {strides = array<i32>} : memref<640xf32, #tpu.memory_space<vmem>>, vector<16xf32>,
    %swap3A_405 = arith.constant 128 : index
    %swap3A_406 = tpu.vector_load %arg12[%swap3A_405] {strides = array<i32>} : memref<640xf32, #tpu.memory_space<vmem>>, vector<16xf32>,
    tpu.vector_store %arg12[%swap3A_405], %broadcast_in_dim3A_389 {strides = array<i32>} : memref<640xf32, #tpu.memory_space<vmem>>, vector<16xf32>,
    %swap3A_407 = arith.constant 144 : index
    %swap3A_408 = tpu.vector_load %arg12[%swap3A_407] {strides = array<i32>} : memref<640xf32, #tpu.memory_space<vmem>>, vector<16xf32>,
    tpu.vector_store %arg12[%swap3A_407], %broadcast_in_dim3A_389 {strides = array<i32>} : memref<640xf32, #tpu.memory_space<vmem>>, vector<16xf32>,
    %swap3A_409 = arith.constant 160 : index
    %swap3A_410 = tpu.vector_load %arg12[%swap3A_409] {strides = array<i32>} : memref<640xf32, #tpu.memory_space<vmem>>, vector<16xf32>,
    tpu.vector_store %arg12[%swap3A_409], %broadcast_in_dim3A_389 {strides = array<i32>} : memref<640xf32, #tpu.memory_space<vmem>>, vector<16xf32>,
    %swap3A_411 = arith.constant 176 : index
    %swap3A_412 = tpu.vector_load %arg12[%swap3A_411] {strides = array<i32>} : memref<640xf32, #tpu.memory_space<vmem>>, vector<16xf32>,
    tpu.vector_store %arg12[%swap3A_411], %broadcast_in_dim3A_389 {strides = array<i32>} : memref<640xf32, #tpu.memory_space<vmem>>, vector<16xf32>,
    %swap3A_413 = arith.constant 192 : index
    %swap3A_414 = tpu.vector_load %arg12[%swap3A_413] {strides = array<i32>} : memref<640xf32, #tpu.memory_space<vmem>>, vector<16xf32>,
    tpu.vector_store %arg12[%swap3A_413], %broadcast_in_dim3A_389 {strides = array<i32>} : memref<640xf32, #tpu.memory_space<vmem>>, vector<16xf32>,
    %swap3A_415 = arith.constant 208 : index
    %swap3A_416 = tpu.vector_load %arg12[%swap3A_415] {strides = array<i32>} : memref<640xf32, #tpu.memory_space<vmem>>, vector<16xf32>,
    tpu.vector_store %arg12[%swap3A_415], %broadcast_in_dim3A_389 {strides = array<i32>} : memref<640xf32, #tpu.memory_space<vmem>>, vector<16xf32>,
    %swap3A_417 = arith.constant 224 : index
    %swap3A_418 = tpu.vector_load %arg12[%swap3A_417] {strides = array<i32>} : memref<640xf32, #tpu.memory_space<vmem>>, vector<16xf32>,
    tpu.vector_store %arg12[%swap3A_417], %broadcast_in_dim3A_389 {strides = array<i32>} : memref<640xf32, #tpu.memory_space<vmem>>, vector<16xf32>,
    %swap3A_419 = arith.constant 240 : index
    %swap3A_420 = tpu.vector_load %arg12[%swap3A_419] {strides = array<i32>} : memref<640xf32, #tpu.memory_space<vmem>>, vector<16xf32>,
    tpu.vector_store %arg12[%swap3A_419], %broadcast_in_dim3A_389 {strides = array<i32>} : memref<640xf32, #tpu.memory_space<vmem>>, vector<16xf32>,
    %swap3A_421 = arith.constant 256 : index
    %swap3A_422 = tpu.vector_load %arg12[%swap3A_421] {strides = array<i32>} : memref<640xf32, #tpu.memory_space<vmem>>, vector<16xf32>,
    tpu.vector_store %arg12[%swap3A_421], %broadcast_in_dim3A_389 {strides = array<i32>} : memref<640xf32, #tpu.memory_space<vmem>>, vector<16xf32>,
    %swap3A_423 = arith.constant 272 : index
    %swap3A_424 = tpu.vector_load %arg12[%swap3A_423] {strides = array<i32>} : memref<640xf32, #tpu.memory_space<vmem>>, vector<16xf32>,
    tpu.vector_store %arg12[%swap3A_423], %broadcast_in_dim3A_389 {strides = array<i32>} : memref<640xf32, #tpu.memory_space<vmem>>, vector<16xf32>,
    %swap3A_425 = arith.constant 288 : index
    %swap3A_426 = tpu.vector_load %arg12[%swap3A_425] {strides = array<i32>} : memref<640xf32, #tpu.memory_space<vmem>>, vector<16xf32>,
    tpu.vector_store %arg12[%swap3A_425], %broadcast_in_dim3A_389 {strides = array<i32>} : memref<640xf32, #tpu.memory_space<vmem>>, vector<16xf32>,
    %swap3A_427 = arith.constant 304 : index
    %swap3A_428 = tpu.vector_load %arg12[%swap3A_427] {strides = array<i32>} : memref<640xf32, #tpu.memory_space<vmem>>, vector<16xf32>,
    tpu.vector_store %arg12[%swap3A_427], %broadcast_in_dim3A_389 {strides = array<i32>} : memref<640xf32, #tpu.memory_space<vmem>>, vector<16xf32>,
    %swap3A_429 = arith.constant 320 : index
    %swap3A_430 = tpu.vector_load %arg12[%swap3A_429] {strides = array<i32>} : memref<640xf32, #tpu.memory_space<vmem>>, vector<16xf32>,
    tpu.vector_store %arg12[%swap3A_429], %broadcast_in_dim3A_389 {strides = array<i32>} : memref<640xf32, #tpu.memory_space<vmem>>, vector<16xf32>,
    %swap3A_431 = arith.constant 336 : index
    %swap3A_432 = tpu.vector_load %arg12[%swap3A_431] {strides = array<i32>} : memref<640xf32, #tpu.memory_space<vmem>>, vector<16xf32>,
    tpu.vector_store %arg12[%swap3A_431], %broadcast_in_dim3A_389 {strides = array<i32>} : memref<640xf32, #tpu.memory_space<vmem>>, vector<16xf32>,
    %swap3A_433 = arith.constant 352 : index
    %swap3A_434 = tpu.vector_load %arg12[%swap3A_433] {strides = array<i32>} : memref<640xf32, #tpu.memory_space<vmem>>, vector<16xf32>,
    tpu.vector_store %arg12[%swap3A_433], %broadcast_in_dim3A_389 {strides = array<i32>} : memref<640xf32, #tpu.memory_space<vmem>>, vector<16xf32>,
    %swap3A_435 = arith.constant 368 : index
    %swap3A_436 = tpu.vector_load %arg12[%swap3A_435] {strides = array<i32>} : memref<640xf32, #tpu.memory_space<vmem>>, vector<16xf32>,
    tpu.vector_store %arg12[%swap3A_435], %broadcast_in_dim3A_389 {strides = array<i32>} : memref<640xf32, #tpu.memory_space<vmem>>, vector<16xf32>,
    %swap3A_437 = arith.constant 384 : index
    %swap3A_438 = tpu.vector_load %arg12[%swap3A_437] {strides = array<i32>} : memref<640xf32, #tpu.memory_space<vmem>>, vector<16xf32>,
    tpu.vector_store %arg12[%swap3A_437], %broadcast_in_dim3A_389 {strides = array<i32>} : memref<640xf32, #tpu.memory_space<vmem>>, vector<16xf32>,
    %swap3A_439 = arith.constant 400 : index
    %swap3A_440 = tpu.vector_load %arg12[%swap3A_439] {strides = array<i32>} : memref<640xf32, #tpu.memory_space<vmem>>, vector<16xf32>,
    tpu.vector_store %arg12[%swap3A_439], %broadcast_in_dim3A_389 {strides = array<i32>} : memref<640xf32, #tpu.memory_space<vmem>>, vector<16xf32>,
    %swap3A_441 = arith.constant 416 : index
    %swap3A_442 = tpu.vector_load %arg12[%swap3A_441] {strides = array<i32>} : memref<640xf32, #tpu.memory_space<vmem>>, vector<16xf32>,
    tpu.vector_store %arg12[%swap3A_441], %broadcast_in_dim3A_389 {strides = array<i32>} : memref<640xf32, #tpu.memory_space<vmem>>, vector<16xf32>,
    %swap3A_443 = arith.constant 432 : index
    %swap3A_444 = tpu.vector_load %arg12[%swap3A_443] {strides = array<i32>} : memref<640xf32, #tpu.memory_space<vmem>>, vector<16xf32>,
    tpu.vector_store %arg12[%swap3A_443], %broadcast_in_dim3A_389 {strides = array<i32>} : memref<640xf32, #tpu.memory_space<vmem>>, vector<16xf32>,
    %swap3A_445 = arith.constant 448 : index
    %swap3A_446 = tpu.vector_load %arg12[%swap3A_445] {strides = array<i32>} : memref<640xf32, #tpu.memory_space<vmem>>, vector<16xf32>,
    tpu.vector_store %arg12[%swap3A_445], %broadcast_in_dim3A_389 {strides = array<i32>} : memref<640xf32, #tpu.memory_space<vmem>>, vector<16xf32>,
    %swap3A_447 = arith.constant 464 : index
    %swap3A_448 = tpu.vector_load %arg12[%swap3A_447] {strides = array<i32>} : memref<640xf32, #tpu.memory_space<vmem>>, vector<16xf32>,
    tpu.vector_store %arg12[%swap3A_447], %broadcast_in_dim3A_389 {strides = array<i32>} : memref<640xf32, #tpu.memory_space<vmem>>, vector<16xf32>,
    %swap3A_449 = arith.constant 480 : index
    %swap3A_450 = tpu.vector_load %arg12[%swap3A_449] {strides = array<i32>} : memref<640xf32, #tpu.memory_space<vmem>>, vector<16xf32>,
    tpu.vector_store %arg12[%swap3A_449], %broadcast_in_dim3A_389 {strides = array<i32>} : memref<640xf32, #tpu.memory_space<vmem>>, vector<16xf32>,
    %swap3A_451 = arith.constant 496 : index
    %swap3A_452 = tpu.vector_load %arg12[%swap3A_451] {strides = array<i32>} : memref<640xf32, #tpu.memory_space<vmem>>, vector<16xf32>,
    tpu.vector_store %arg12[%swap3A_451], %broadcast_in_dim3A_389 {strides = array<i32>} : memref<640xf32, #tpu.memory_space<vmem>>, vector<16xf32>,
    %swap3A_453 = arith.constant 512 : index
    %swap3A_454 = tpu.vector_load %arg12[%swap3A_453] {strides = array<i32>} : memref<640xf32, #tpu.memory_space<vmem>>, vector<16xf32>,
    tpu.vector_store %arg12[%swap3A_453], %broadcast_in_dim3A_389 {strides = array<i32>} : memref<640xf32, #tpu.memory_space<vmem>>, vector<16xf32>,
    %swap3A_455 = arith.constant 528 : index
    %swap3A_456 = tpu.vector_load %arg12[%swap3A_455] {strides = array<i32>} : memref<640xf32, #tpu.memory_space<vmem>>, vector<16xf32>,
    tpu.vector_store %arg12[%swap3A_455], %broadcast_in_dim3A_389 {strides = array<i32>} : memref<640xf32, #tpu.memory_space<vmem>>, vector<16xf32>,
    %swap3A_457 = arith.constant 544 : index
    %swap3A_458 = tpu.vector_load %arg12[%swap3A_457] {strides = array<i32>} : memref<640xf32, #tpu.memory_space<vmem>>, vector<16xf32>,
    tpu.vector_store %arg12[%swap3A_457], %broadcast_in_dim3A_389 {strides = array<i32>} : memref<640xf32, #tpu.memory_space<vmem>>, vector<16xf32>,
    %swap3A_459 = arith.constant 560 : index
    %swap3A_460 = tpu.vector_load %arg12[%swap3A_459] {strides = array<i32>} : memref<640xf32, #tpu.memory_space<vmem>>, vector<16xf32>,
    tpu.vector_store %arg12[%swap3A_459], %broadcast_in_dim3A_389 {strides = array<i32>} : memref<640xf32, #tpu.memory_space<vmem>>, vector<16xf32>,
    %swap3A_461 = arith.constant 576 : index
    %swap3A_462 = tpu.vector_load %arg12[%swap3A_461] {strides = array<i32>} : memref<640xf32, #tpu.memory_space<vmem>>, vector<16xf32>,
    tpu.vector_store %arg12[%swap3A_461], %broadcast_in_dim3A_389 {strides = array<i32>} : memref<640xf32, #tpu.memory_space<vmem>>, vector<16xf32>,
    %swap3A_463 = arith.constant 592 : index
    %swap3A_464 = tpu.vector_load %arg12[%swap3A_463] {strides = array<i32>} : memref<640xf32, #tpu.memory_space<vmem>>, vector<16xf32>,
    tpu.vector_store %arg12[%swap3A_463], %broadcast_in_dim3A_389 {strides = array<i32>} : memref<640xf32, #tpu.memory_space<vmem>>, vector<16xf32>,
    %swap3A_465 = arith.constant 608 : index
    %swap3A_466 = tpu.vector_load %arg12[%swap3A_465] {strides = array<i32>} : memref<640xf32, #tpu.memory_space<vmem>>, vector<16xf32>,
    tpu.vector_store %arg12[%swap3A_465], %broadcast_in_dim3A_389 {strides = array<i32>} : memref<640xf32, #tpu.memory_space<vmem>>, vector<16xf32>,
    %swap3A_467 = arith.constant 624 : index
    %swap3A_468 = tpu.vector_load %arg12[%swap3A_467] {strides = array<i32>} : memref<640xf32, #tpu.memory_space<vmem>>, vector<16xf32>,
    tpu.vector_store %arg12[%swap3A_467], %broadcast_in_dim3A_389 {strides = array<i32>} : memref<640xf32, #tpu.memory_space<vmem>>, vector<16xf32>,
    %eq3A_469 = arith.constant 31 : i32
    %eq3A_470 = arith.cmpi eq, %add3A, %eq3A_469 : i32
    %convert_element_type3A_471 = arith.extui %eq3A_470 : i1 to i32
    %cond3A_472 = arith.constant 0 : i32
    %cond3A_473 = arith.cmpi ne, %convert_element_type3A_471, %cond3A_472 : i32
    scf.if %cond3A_473 {
      %broadcast_in_dim3A_536 = arith.constant 0 : i32
      %broadcast_in_dim3A_537 = vector.broadcast %broadcast_in_dim3A_536 : i32 to vector<16xi32>
      %iota3A = tpu.iota {dimensions = array<i32: 0>} : vector<16xi32>
      %scan3A_538 = arith.constant 0 : i32
      %scan3A_539 = arith.constant 20 : i32
      %scan3A_540 = arith.constant 60 : i32
      %scan3A_541 = arith.addi %scan3A_539, %scan3A_540 : i32
      %scan3A_542 = arith.constant 1 : i32
      scf.for %scan3A_544 = %scan3A_539 to %scan3A_541 step %scan3A_542  : i32 {
        %mul3A_545 = arith.constant 128 : i32
        %mul3A_546 = arith.muli %scan3A_544, %mul3A_545 : i32
        %add3A_547 = arith.constant 0 : i32
        %add3A_548 = arith.addi %mul3A_546, %add3A_547 : i32
        %add3A_549 = vector.broadcast %add3A_548 : i32 to vector<16xi32>
        %add3A_550 = arith.addi %add3A_549, %iota3A : vector<16xi32>
        %rem3A = arith.constant 240 : i32
        %rem3A_551 = vector.broadcast %rem3A : i32 to vector<16xi32>
        %rem3A_552 = arith.remsi %add3A_550, %rem3A_551 : vector<16xi32>
        %add3A_553 = arith.constant 10000 : i32
        %add3A_554 = vector.broadcast %add3A_553 : i32 to vector<16xi32>
        %add3A_555 = arith.addi %add3A_554, %rem3A_552 : vector<16xi32>
        %swap3A_556 = arith.constant 0 : i32
        %swap3A_557 = arith.index_cast %scan3A_544 : i32 to index
        %swap3A_558 = arith.index_cast %swap3A_556 : i32 to index
        %swap3A_559 = arith.constant 0 : index
        %swap3A_560 = tpu.vector_load %arg10[%swap3A_557, %swap3A_558, %swap3A_559] {strides = array<i32>} : memref<80x2x128xi32, #tpu.memory_space<vmem>>, vector<16xi32>,
        tpu.vector_store %arg10[%swap3A_557, %swap3A_558, %swap3A_559], %broadcast_in_dim3A_537 {strides = array<i32>} : memref<80x2x128xi32, #tpu.memory_space<vmem>>, vector<16xi32>,
        %swap3A_561 = arith.constant 1 : i32
        %swap3A_562 = arith.index_cast %scan3A_544 : i32 to index
        %swap3A_563 = arith.index_cast %swap3A_561 : i32 to index
        %swap3A_564 = arith.constant 0 : index
        %swap3A_565 = tpu.vector_load %arg10[%swap3A_562, %swap3A_563, %swap3A_564] {strides = array<i32>} : memref<80x2x128xi32, #tpu.memory_space<vmem>>, vector<16xi32>,
        tpu.vector_store %arg10[%swap3A_562, %swap3A_563, %swap3A_564], %add3A_555 {strides = array<i32>} : memref<80x2x128xi32, #tpu.memory_space<vmem>>, vector<16xi32>,
        %mul3A_566 = arith.constant 128 : i32
        %mul3A_567 = arith.muli %scan3A_544, %mul3A_566 : i32
        %add3A_568 = arith.constant 16 : i32
        %add3A_569 = arith.addi %mul3A_567, %add3A_568 : i32
        %add3A_570 = vector.broadcast %add3A_569 : i32 to vector<16xi32>
        %add3A_571 = arith.addi %add3A_570, %iota3A : vector<16xi32>
        %rem3A_572 = arith.constant 240 : i32
        %rem3A_573 = vector.broadcast %rem3A_572 : i32 to vector<16xi32>
        %rem3A_574 = arith.remsi %add3A_571, %rem3A_573 : vector<16xi32>
        %add3A_575 = arith.constant 10000 : i32
        %add3A_576 = vector.broadcast %add3A_575 : i32 to vector<16xi32>
        %add3A_577 = arith.addi %add3A_576, %rem3A_574 : vector<16xi32>
        %swap3A_578 = arith.constant 0 : i32
        %swap3A_579 = arith.index_cast %scan3A_544 : i32 to index
        %swap3A_580 = arith.index_cast %swap3A_578 : i32 to index
        %swap3A_581 = arith.constant 16 : index
        %swap3A_582 = tpu.vector_load %arg10[%swap3A_579, %swap3A_580, %swap3A_581] {strides = array<i32>} : memref<80x2x128xi32, #tpu.memory_space<vmem>>, vector<16xi32>,
        tpu.vector_store %arg10[%swap3A_579, %swap3A_580, %swap3A_581], %broadcast_in_dim3A_537 {strides = array<i32>} : memref<80x2x128xi32, #tpu.memory_space<vmem>>, vector<16xi32>,
        %swap3A_583 = arith.constant 1 : i32
        %swap3A_584 = arith.index_cast %scan3A_544 : i32 to index
        %swap3A_585 = arith.index_cast %swap3A_583 : i32 to index
        %swap3A_586 = arith.constant 16 : index
        %swap3A_587 = tpu.vector_load %arg10[%swap3A_584, %swap3A_585, %swap3A_586] {strides = array<i32>} : memref<80x2x128xi32, #tpu.memory_space<vmem>>, vector<16xi32>,
        tpu.vector_store %arg10[%swap3A_584, %swap3A_585, %swap3A_586], %add3A_577 {strides = array<i32>} : memref<80x2x128xi32, #tpu.memory_space<vmem>>, vector<16xi32>,
        %mul3A_588 = arith.constant 128 : i32
        %mul3A_589 = arith.muli %scan3A_544, %mul3A_588 : i32
        %add3A_590 = arith.constant 32 : i32
        %add3A_591 = arith.addi %mul3A_589, %add3A_590 : i32
        %add3A_592 = vector.broadcast %add3A_591 : i32 to vector<16xi32>
        %add3A_593 = arith.addi %add3A_592, %iota3A : vector<16xi32>
        %rem3A_594 = arith.constant 240 : i32
        %rem3A_595 = vector.broadcast %rem3A_594 : i32 to vector<16xi32>
        %rem3A_596 = arith.remsi %add3A_593, %rem3A_595 : vector<16xi32>
        %add3A_597 = arith.constant 10000 : i32
        %add3A_598 = vector.broadcast %add3A_597 : i32 to vector<16xi32>
        %add3A_599 = arith.addi %add3A_598, %rem3A_596 : vector<16xi32>
        %swap3A_600 = arith.constant 0 : i32
        %swap3A_601 = arith.index_cast %scan3A_544 : i32 to index
        %swap3A_602 = arith.index_cast %swap3A_600 : i32 to index
        %swap3A_603 = arith.constant 32 : index
        %swap3A_604 = tpu.vector_load %arg10[%swap3A_601, %swap3A_602, %swap3A_603] {strides = array<i32>} : memref<80x2x128xi32, #tpu.memory_space<vmem>>, vector<16xi32>,
        tpu.vector_store %arg10[%swap3A_601, %swap3A_602, %swap3A_603], %broadcast_in_dim3A_537 {strides = array<i32>} : memref<80x2x128xi32, #tpu.memory_space<vmem>>, vector<16xi32>,
        %swap3A_605 = arith.constant 1 : i32
        %swap3A_606 = arith.index_cast %scan3A_544 : i32 to index
        %swap3A_607 = arith.index_cast %swap3A_605 : i32 to index
        %swap3A_608 = arith.constant 32 : index
        %swap3A_609 = tpu.vector_load %arg10[%swap3A_606, %swap3A_607, %swap3A_608] {strides = array<i32>} : memref<80x2x128xi32, #tpu.memory_space<vmem>>, vector<16xi32>,
        tpu.vector_store %arg10[%swap3A_606, %swap3A_607, %swap3A_608], %add3A_599 {strides = array<i32>} : memref<80x2x128xi32, #tpu.memory_space<vmem>>, vector<16xi32>,
        %mul3A_610 = arith.constant 128 : i32
        %mul3A_611 = arith.muli %scan3A_544, %mul3A_610 : i32
        %add3A_612 = arith.constant 48 : i32
        %add3A_613 = arith.addi %mul3A_611, %add3A_612 : i32
        %add3A_614 = vector.broadcast %add3A_613 : i32 to vector<16xi32>
        %add3A_615 = arith.addi %add3A_614, %iota3A : vector<16xi32>
        %rem3A_616 = arith.constant 240 : i32
        %rem3A_617 = vector.broadcast %rem3A_616 : i32 to vector<16xi32>
        %rem3A_618 = arith.remsi %add3A_615, %rem3A_617 : vector<16xi32>
        %add3A_619 = arith.constant 10000 : i32
        %add3A_620 = vector.broadcast %add3A_619 : i32 to vector<16xi32>
        %add3A_621 = arith.addi %add3A_620, %rem3A_618 : vector<16xi32>
        %swap3A_622 = arith.constant 0 : i32
        %swap3A_623 = arith.index_cast %scan3A_544 : i32 to index
        %swap3A_624 = arith.index_cast %swap3A_622 : i32 to index
        %swap3A_625 = arith.constant 48 : index
        %swap3A_626 = tpu.vector_load %arg10[%swap3A_623, %swap3A_624, %swap3A_625] {strides = array<i32>} : memref<80x2x128xi32, #tpu.memory_space<vmem>>, vector<16xi32>,
        tpu.vector_store %arg10[%swap3A_623, %swap3A_624, %swap3A_625], %broadcast_in_dim3A_537 {strides = array<i32>} : memref<80x2x128xi32, #tpu.memory_space<vmem>>, vector<16xi32>,
        %swap3A_627 = arith.constant 1 : i32
        %swap3A_628 = arith.index_cast %scan3A_544 : i32 to index
        %swap3A_629 = arith.index_cast %swap3A_627 : i32 to index
        %swap3A_630 = arith.constant 48 : index
        %swap3A_631 = tpu.vector_load %arg10[%swap3A_628, %swap3A_629, %swap3A_630] {strides = array<i32>} : memref<80x2x128xi32, #tpu.memory_space<vmem>>, vector<16xi32>,
        tpu.vector_store %arg10[%swap3A_628, %swap3A_629, %swap3A_630], %add3A_621 {strides = array<i32>} : memref<80x2x128xi32, #tpu.memory_space<vmem>>, vector<16xi32>,
        %mul3A_632 = arith.constant 128 : i32
        %mul3A_633 = arith.muli %scan3A_544, %mul3A_632 : i32
        %add3A_634 = arith.constant 64 : i32
        %add3A_635 = arith.addi %mul3A_633, %add3A_634 : i32
        %add3A_636 = vector.broadcast %add3A_635 : i32 to vector<16xi32>
        %add3A_637 = arith.addi %add3A_636, %iota3A : vector<16xi32>
        %rem3A_638 = arith.constant 240 : i32
        %rem3A_639 = vector.broadcast %rem3A_638 : i32 to vector<16xi32>
        %rem3A_640 = arith.remsi %add3A_637, %rem3A_639 : vector<16xi32>
        %add3A_641 = arith.constant 10000 : i32
        %add3A_642 = vector.broadcast %add3A_641 : i32 to vector<16xi32>
        %add3A_643 = arith.addi %add3A_642, %rem3A_640 : vector<16xi32>
        %swap3A_644 = arith.constant 0 : i32
        %swap3A_645 = arith.index_cast %scan3A_544 : i32 to index
        %swap3A_646 = arith.index_cast %swap3A_644 : i32 to index
        %swap3A_647 = arith.constant 64 : index
        %swap3A_648 = tpu.vector_load %arg10[%swap3A_645, %swap3A_646, %swap3A_647] {strides = array<i32>} : memref<80x2x128xi32, #tpu.memory_space<vmem>>, vector<16xi32>,
        tpu.vector_store %arg10[%swap3A_645, %swap3A_646, %swap3A_647], %broadcast_in_dim3A_537 {strides = array<i32>} : memref<80x2x128xi32, #tpu.memory_space<vmem>>, vector<16xi32>,
        %swap3A_649 = arith.constant 1 : i32
        %swap3A_650 = arith.index_cast %scan3A_544 : i32 to index
        %swap3A_651 = arith.index_cast %swap3A_649 : i32 to index
        %swap3A_652 = arith.constant 64 : index
        %swap3A_653 = tpu.vector_load %arg10[%swap3A_650, %swap3A_651, %swap3A_652] {strides = array<i32>} : memref<80x2x128xi32, #tpu.memory_space<vmem>>, vector<16xi32>,
        tpu.vector_store %arg10[%swap3A_650, %swap3A_651, %swap3A_652], %add3A_643 {strides = array<i32>} : memref<80x2x128xi32, #tpu.memory_space<vmem>>, vector<16xi32>,
        %mul3A_654 = arith.constant 128 : i32
        %mul3A_655 = arith.muli %scan3A_544, %mul3A_654 : i32
        %add3A_656 = arith.constant 80 : i32
        %add3A_657 = arith.addi %mul3A_655, %add3A_656 : i32
        %add3A_658 = vector.broadcast %add3A_657 : i32 to vector<16xi32>
        %add3A_659 = arith.addi %add3A_658, %iota3A : vector<16xi32>
        %rem3A_660 = arith.constant 240 : i32
        %rem3A_661 = vector.broadcast %rem3A_660 : i32 to vector<16xi32>
        %rem3A_662 = arith.remsi %add3A_659, %rem3A_661 : vector<16xi32>
        %add3A_663 = arith.constant 10000 : i32
        %add3A_664 = vector.broadcast %add3A_663 : i32 to vector<16xi32>
        %add3A_665 = arith.addi %add3A_664, %rem3A_662 : vector<16xi32>
        %swap3A_666 = arith.constant 0 : i32
        %swap3A_667 = arith.index_cast %scan3A_544 : i32 to index
        %swap3A_668 = arith.index_cast %swap3A_666 : i32 to index
        %swap3A_669 = arith.constant 80 : index
        %swap3A_670 = tpu.vector_load %arg10[%swap3A_667, %swap3A_668, %swap3A_669] {strides = array<i32>} : memref<80x2x128xi32, #tpu.memory_space<vmem>>, vector<16xi32>,
        tpu.vector_store %arg10[%swap3A_667, %swap3A_668, %swap3A_669], %broadcast_in_dim3A_537 {strides = array<i32>} : memref<80x2x128xi32, #tpu.memory_space<vmem>>, vector<16xi32>,
        %swap3A_671 = arith.constant 1 : i32
        %swap3A_672 = arith.index_cast %scan3A_544 : i32 to index
        %swap3A_673 = arith.index_cast %swap3A_671 : i32 to index
        %swap3A_674 = arith.constant 80 : index
        %swap3A_675 = tpu.vector_load %arg10[%swap3A_672, %swap3A_673, %swap3A_674] {strides = array<i32>} : memref<80x2x128xi32, #tpu.memory_space<vmem>>, vector<16xi32>,
        tpu.vector_store %arg10[%swap3A_672, %swap3A_673, %swap3A_674], %add3A_665 {strides = array<i32>} : memref<80x2x128xi32, #tpu.memory_space<vmem>>, vector<16xi32>,
        %mul3A_676 = arith.constant 128 : i32
        %mul3A_677 = arith.muli %scan3A_544, %mul3A_676 : i32
        %add3A_678 = arith.constant 96 : i32
        %add3A_679 = arith.addi %mul3A_677, %add3A_678 : i32
        %add3A_680 = vector.broadcast %add3A_679 : i32 to vector<16xi32>
        %add3A_681 = arith.addi %add3A_680, %iota3A : vector<16xi32>
        %rem3A_682 = arith.constant 240 : i32
        %rem3A_683 = vector.broadcast %rem3A_682 : i32 to vector<16xi32>
        %rem3A_684 = arith.remsi %add3A_681, %rem3A_683 : vector<16xi32>
        %add3A_685 = arith.constant 10000 : i32
        %add3A_686 = vector.broadcast %add3A_685 : i32 to vector<16xi32>
        %add3A_687 = arith.addi %add3A_686, %rem3A_684 : vector<16xi32>
        %swap3A_688 = arith.constant 0 : i32
        %swap3A_689 = arith.index_cast %scan3A_544 : i32 to index
        %swap3A_690 = arith.index_cast %swap3A_688 : i32 to index
        %swap3A_691 = arith.constant 96 : index
        %swap3A_692 = tpu.vector_load %arg10[%swap3A_689, %swap3A_690, %swap3A_691] {strides = array<i32>} : memref<80x2x128xi32, #tpu.memory_space<vmem>>, vector<16xi32>,
        tpu.vector_store %arg10[%swap3A_689, %swap3A_690, %swap3A_691], %broadcast_in_dim3A_537 {strides = array<i32>} : memref<80x2x128xi32, #tpu.memory_space<vmem>>, vector<16xi32>,
        %swap3A_693 = arith.constant 1 : i32
        %swap3A_694 = arith.index_cast %scan3A_544 : i32 to index
        %swap3A_695 = arith.index_cast %swap3A_693 : i32 to index
        %swap3A_696 = arith.constant 96 : index
        %swap3A_697 = tpu.vector_load %arg10[%swap3A_694, %swap3A_695, %swap3A_696] {strides = array<i32>} : memref<80x2x128xi32, #tpu.memory_space<vmem>>, vector<16xi32>,
        tpu.vector_store %arg10[%swap3A_694, %swap3A_695, %swap3A_696], %add3A_687 {strides = array<i32>} : memref<80x2x128xi32, #tpu.memory_space<vmem>>, vector<16xi32>,
        %mul3A_698 = arith.constant 128 : i32
        %mul3A_699 = arith.muli %scan3A_544, %mul3A_698 : i32
        %add3A_700 = arith.constant 112 : i32
        %add3A_701 = arith.addi %mul3A_699, %add3A_700 : i32
        %add3A_702 = vector.broadcast %add3A_701 : i32 to vector<16xi32>
        %add3A_703 = arith.addi %add3A_702, %iota3A : vector<16xi32>
        %rem3A_704 = arith.constant 240 : i32
        %rem3A_705 = vector.broadcast %rem3A_704 : i32 to vector<16xi32>
        %rem3A_706 = arith.remsi %add3A_703, %rem3A_705 : vector<16xi32>
        %add3A_707 = arith.constant 10000 : i32
        %add3A_708 = vector.broadcast %add3A_707 : i32 to vector<16xi32>
        %add3A_709 = arith.addi %add3A_708, %rem3A_706 : vector<16xi32>
        %swap3A_710 = arith.constant 0 : i32
        %swap3A_711 = arith.index_cast %scan3A_544 : i32 to index
        %swap3A_712 = arith.index_cast %swap3A_710 : i32 to index
        %swap3A_713 = arith.constant 112 : index
        %swap3A_714 = tpu.vector_load %arg10[%swap3A_711, %swap3A_712, %swap3A_713] {strides = array<i32>} : memref<80x2x128xi32, #tpu.memory_space<vmem>>, vector<16xi32>,
        tpu.vector_store %arg10[%swap3A_711, %swap3A_712, %swap3A_713], %broadcast_in_dim3A_537 {strides = array<i32>} : memref<80x2x128xi32, #tpu.memory_space<vmem>>, vector<16xi32>,
        %swap3A_715 = arith.constant 1 : i32
        %swap3A_716 = arith.index_cast %scan3A_544 : i32 to index
        %swap3A_717 = arith.index_cast %swap3A_715 : i32 to index
        %swap3A_718 = arith.constant 112 : index
        %swap3A_719 = tpu.vector_load %arg10[%swap3A_716, %swap3A_717, %swap3A_718] {strides = array<i32>} : memref<80x2x128xi32, #tpu.memory_space<vmem>>, vector<16xi32>,
        tpu.vector_store %arg10[%swap3A_716, %swap3A_717, %swap3A_718], %add3A_709 {strides = array<i32>} : memref<80x2x128xi32, #tpu.memory_space<vmem>>, vector<16xi32>,
      }
      %scan3A_543 = arith.constant 60 : i32
    } else {
    }
    %get3A = arith.constant 0 : i32
    %get3A_474 = arith.index_cast %get3A : i32 to index
    %get3A_475 = arith.constant 0 : index
    %get3A_476 = tpu.vector_load %arg9[%get3A_474, %get3A_475] {strides = array<i32>} : memref<8x128xf32, #tpu.memory_space<vmem>>, vector<16xf32>,
    %reduce_max3A = arith.constant true
    %reduce_max3A_477 = vector.broadcast %reduce_max3A : i1 to vector<16xi1>
    %reduce_max3A_478 = tpu.scan <max>, %get3A_476 masked %reduce_max3A_477 : vector<16xf32>, vector<16xi1> -> vector<16xf32>
    %reduce_max3A_479 = vector.extract %reduce_max3A_478[15] : f32 from vector<16xf32>
    %get3A_480 = arith.constant 4 : i32
    %get3A_481 = arith.index_cast %get3A_480 : i32 to index
    %get3A_482 = arith.constant 0 : index
    %get3A_483 = tpu.vector_load %arg9[%get3A_481, %get3A_482] {strides = array<i32>} : memref<8x128xf32, #tpu.memory_space<vmem>>, vector<16xf32>,
    %reduce_max3A_484 = arith.constant true
    %reduce_max3A_485 = vector.broadcast %reduce_max3A_484 : i1 to vector<16xi1>
    %reduce_max3A_486 = tpu.scan <max>, %get3A_483 masked %reduce_max3A_485 : vector<16xf32>, vector<16xi1> -> vector<16xf32>
    %reduce_max3A_487 = vector.extract %reduce_max3A_486[15] : f32 from vector<16xf32>
    %add3A_488 = arith.addf %reduce_max3A_479, %reduce_max3A_487 : f32
    %mul3A_489 = arith.constant 2.000000e-01 : f32
    %mul3A_490 = arith.mulf %mul3A_489, %add3A_488 : f32
    %max3A = arith.maximumf %add3A_488, %mul3A_490 : f32
    %dma_wait3A = arith.constant 0 : i32
    %dma_wait3A_491 = arith.constant 0 : i32
    %dma_wait3A_492 = tpu.memref_slice %arg2[%dma_wait3A, %dma_wait3A_491] : memref<8x10240xf32, #tpu.memory_space<hbm>> -> memref<1x10240xf32, #tpu.memory_space<hbm>>
    %dma_wait3A_493 = tpu.memref_squeeze %dma_wait3A_492 : memref<1x10240xf32, #tpu.memory_space<hbm>> -> memref<10240xf32, #tpu.memory_space<hbm>>
    %dma_wait3A_494 = arith.constant 0 : i32
    %dma_wait3A_495 = tpu.memref_slice %arg2[%dma_wait3A, %dma_wait3A_494] : memref<8x10240xf32, #tpu.memory_space<hbm>> -> memref<1x10240xf32, #tpu.memory_space<hbm>>
    %dma_wait3A_496 = tpu.memref_squeeze %dma_wait3A_495 : memref<1x10240xf32, #tpu.memory_space<hbm>> -> memref<10240xf32, #tpu.memory_space<hbm>>
    tpu.wait_dma2 semaphore(%arg14 : memref<!tpu.dma_semaphore, #tpu.memory_space<semaphore_mem>>) src(%dma_wait3A_496 : memref<10240xf32, #tpu.memory_space<hbm>>) dst(%arg7 : memref<10240xf32, #tpu.memory_space<vmem>>)
    %dma_wait3A_497 = arith.constant 0 : i32
    %dma_wait3A_498 = arith.constant 0 : i32
    %dma_wait3A_499 = tpu.memref_slice %arg3[%dma_wait3A_497, %dma_wait3A_498] : memref<8x10240xf32, #tpu.memory_space<hbm>> -> memref<1x10240xf32, #tpu.memory_space<hbm>>
    %dma_wait3A_500 = tpu.memref_squeeze %dma_wait3A_499 : memref<1x10240xf32, #tpu.memory_space<hbm>> -> memref<10240xf32, #tpu.memory_space<hbm>>
    %dma_wait3A_501 = arith.constant 0 : i32
    %dma_wait3A_502 = tpu.memref_slice %arg3[%dma_wait3A_497, %dma_wait3A_501] : memref<8x10240xf32, #tpu.memory_space<hbm>> -> memref<1x10240xf32, #tpu.memory_space<hbm>>
    %dma_wait3A_503 = tpu.memref_squeeze %dma_wait3A_502 : memref<1x10240xf32, #tpu.memory_space<hbm>> -> memref<10240xf32, #tpu.memory_space<hbm>>
    tpu.wait_dma2 semaphore(%arg14 : memref<!tpu.dma_semaphore, #tpu.memory_space<semaphore_mem>>) src(%dma_wait3A_503 : memref<10240xf32, #tpu.memory_space<hbm>>) dst(%arg8 : memref<10240xf32, #tpu.memory_space<vmem>>)
    %lt3A_504 = arith.constant 31 : i32
    %lt3A_505 = arith.cmpi slt, %add3A, %lt3A_504 : i32
    %convert_element_type3A_506 = arith.extui %lt3A_505 : i1 to i32
    %cond3A_507 = arith.constant 0 : i32
    %cond3A_508 = arith.cmpi ne, %convert_element_type3A_506, %cond3A_507 : i32
    scf.if %cond3A_508 {
      %dma_wait3A_536 = arith.constant 0 : i32
      %dma_wait3A_537 = arith.constant 0 : i32
      %dma_wait3A_538 = tpu.memref_slice %arg5[%multiple_of3A, %dma_wait3A_536, %dma_wait3A_537] : memref<2500x2x128xi32, #tpu.memory_space<hbm>> -> memref<80x2x128xi32, #tpu.memory_space<hbm>>
      %dma_wait3A_539 = arith.constant 0 : i32
      %dma_wait3A_540 = arith.constant 0 : i32
      %dma_wait3A_541 = tpu.memref_slice %arg5[%multiple_of3A, %dma_wait3A_539, %dma_wait3A_540] : memref<2500x2x128xi32, #tpu.memory_space<hbm>> -> memref<80x2x128xi32, #tpu.memory_space<hbm>>
      tpu.wait_dma2 semaphore(%arg14 : memref<!tpu.dma_semaphore, #tpu.memory_space<semaphore_mem>>) src(%dma_wait3A_541 : memref<80x2x128xi32, #tpu.memory_space<hbm>>) dst(%arg10 : memref<80x2x128xi32, #tpu.memory_space<vmem>>)
    } else {
    }
    %eq3A_509 = arith.constant 31 : i32
    %eq3A_510 = arith.cmpi eq, %add3A, %eq3A_509 : i32
    %convert_element_type3A_511 = arith.extui %eq3A_510 : i1 to i32
    %cond3A_512 = arith.constant 0 : i32
    %cond3A_513 = arith.cmpi ne, %convert_element_type3A_511, %cond3A_512 : i32
    scf.if %cond3A_513 {
      %dma_wait3A_536 = arith.constant 0 : i32
      %dma_wait3A_537 = arith.constant 0 : i32
      %dma_wait3A_538 = arith.constant 0 : i32
      %dma_wait3A_539 = tpu.memref_slice %arg10[%dma_wait3A_536, %dma_wait3A_537, %dma_wait3A_538] : memref<80x2x128xi32, #tpu.memory_space<vmem>> -> memref<20x2x128xi32, #tpu.memory_space<vmem>>
      %dma_wait3A_540 = arith.constant 0 : i32
      %dma_wait3A_541 = arith.constant 0 : i32
      %dma_wait3A_542 = tpu.memref_slice %arg5[%multiple_of3A, %dma_wait3A_540, %dma_wait3A_541] : memref<2500x2x128xi32, #tpu.memory_space<hbm>> -> memref<20x2x128xi32, #tpu.memory_space<hbm>>
      %dma_wait3A_543 = arith.constant 0 : i32
      %dma_wait3A_544 = arith.constant 0 : i32
      %dma_wait3A_545 = arith.constant 0 : i32
      %dma_wait3A_546 = tpu.memref_slice %arg10[%dma_wait3A_543, %dma_wait3A_544, %dma_wait3A_545] : memref<80x2x128xi32, #tpu.memory_space<vmem>> -> memref<20x2x128xi32, #tpu.memory_space<vmem>>
      %dma_wait3A_547 = arith.constant 0 : i32
      %dma_wait3A_548 = arith.constant 0 : i32
      %dma_wait3A_549 = tpu.memref_slice %arg5[%multiple_of3A, %dma_wait3A_547, %dma_wait3A_548] : memref<2500x2x128xi32, #tpu.memory_space<hbm>> -> memref<20x2x128xi32, #tpu.memory_space<hbm>>
      tpu.wait_dma2 semaphore(%arg14 : memref<!tpu.dma_semaphore, #tpu.memory_space<semaphore_mem>>) src(%dma_wait3A_549 : memref<20x2x128xi32, #tpu.memory_space<hbm>>) dst(%dma_wait3A_546 : memref<20x2x128xi32, #tpu.memory_space<vmem>>)
    } else {
    }
    %mul3A_514 = arith.constant 640 : i32
    %mul3A_515 = arith.muli %arg1, %mul3A_514 : i32
    "tpu.region"() ({
      %run_scoped3A = tpu.sem_alloc : memref<!tpu.dma_semaphore, #tpu.memory_space<semaphore_mem>>
      %dma_start3A_536 = tpu.memref_slice %arg13[%mul3A_515] : memref<10240xf32, #tpu.memory_space<vmem_shared>> -> memref<640xf32, #tpu.memory_space<vmem_shared>>
      %dma_start3A_537 = tpu.memref_slice %arg13[%mul3A_515] : memref<10240xf32, #tpu.memory_space<vmem_shared>> -> memref<640xf32, #tpu.memory_space<vmem_shared>>
      tpu.enqueue_dma source(%arg12 : memref<640xf32, #tpu.memory_space<vmem>>) target(%dma_start3A_537 : memref<640xf32, #tpu.memory_space<vmem_shared>>) target_semaphore(%run_scoped3A : memref<!tpu.dma_semaphore, #tpu.memory_space<semaphore_mem>>)
      %dma_wait3A_538 = tpu.memref_slice %arg13[%mul3A_515] : memref<10240xf32, #tpu.memory_space<vmem_shared>> -> memref<640xf32, #tpu.memory_space<vmem_shared>>
      %dma_wait3A_539 = tpu.memref_slice %arg13[%mul3A_515] : memref<10240xf32, #tpu.memory_space<vmem_shared>> -> memref<640xf32, #tpu.memory_space<vmem_shared>>
      tpu.wait_dma2 semaphore(%run_scoped3A : memref<!tpu.dma_semaphore, #tpu.memory_space<semaphore_mem>>) src(%arg12 : memref<640xf32, #tpu.memory_space<vmem>>) dst(%dma_wait3A_539 : memref<640xf32, #tpu.memory_space<vmem_shared>>)
      tpu.yield
    }) : () -> ()
    %barrier3A = arith.constant 0 : index
    tpu.barrier barrier_id(%barrier3A)
    %scan3A = arith.constant 0 : i32
    %scan3A_516 = arith.constant 0 : i32
    %scan3A_517 = arith.constant 80 : i32
    %scan3A_518 = arith.addi %scan3A_516, %scan3A_517 : i32
    %scan3A_519 = arith.constant 1 : i32
    scf.for %scan3A_536 = %scan3A_516 to %scan3A_518 step %scan3A_519  : i32 {
      %get3A_537 = arith.constant 0 : i32
      %get3A_538 = arith.index_cast %scan3A_536 : i32 to index
      %get3A_539 = arith.index_cast %get3A_537 : i32 to index
      %get3A_540 = arith.constant 0 : index
      %get3A_541 = tpu.vector_load %arg10[%get3A_538, %get3A_539, %get3A_540] {strides = array<i32>} : memref<80x2x128xi32, #tpu.memory_space<vmem>>, vector<16xi32>,
      %get3A_542 = arith.constant 1 : i32
      %get3A_543 = arith.index_cast %scan3A_536 : i32 to index
      %get3A_544 = arith.index_cast %get3A_542 : i32 to index
      %get3A_545 = arith.constant 0 : index
      %get3A_546 = tpu.vector_load %arg10[%get3A_543, %get3A_544, %get3A_545] {strides = array<i32>} : memref<80x2x128xi32, #tpu.memory_space<vmem>>, vector<16xi32>,
      %gather3A = tpu.vector_load_idx %arg7[%get3A_541] : memref<10240xf32, #tpu.memory_space<vmem>>[vector<16xi32>], vector<16xf32>,
      %gather3A_547 = tpu.vector_load_idx %arg8[%get3A_546] : memref<10240xf32, #tpu.memory_space<vmem>>[vector<16xi32>], vector<16xf32>,
      %add3A_548 = arith.addf %gather3A, %gather3A_547 : vector<16xf32>
      %mul3A_549 = arith.constant 2.000000e-01 : f32
      %mul3A_550 = vector.broadcast %mul3A_549 : f32 to vector<16xf32>
      %mul3A_551 = arith.mulf %mul3A_550, %add3A_548 : vector<16xf32>
      %max3A_552 = arith.maximumf %add3A_548, %mul3A_551 : vector<16xf32>
      %sub3A_553 = vector.broadcast %max3A : f32 to vector<16xf32>
      %sub3A_554 = arith.subf %max3A_552, %sub3A_553 : vector<16xf32>
      %exp3A = math.exp %sub3A_554 : vector<16xf32>
      %swap3A_555 = arith.index_cast %scan3A_536 : i32 to index
      %swap3A_556 = arith.constant 0 : index
      %swap3A_557 = tpu.vector_load %arg11[%swap3A_555, %swap3A_556] {strides = array<i32>} : memref<80x128xf32, #tpu.memory_space<vmem>>, vector<16xf32>,
      tpu.vector_store %arg11[%swap3A_555, %swap3A_556], %exp3A {strides = array<i32>} : memref<80x128xf32, #tpu.memory_space<vmem>>, vector<16xf32>,
      %get3A_558 = arith.constant 0 : i32
      %get3A_559 = arith.index_cast %scan3A_536 : i32 to index
      %get3A_560 = arith.index_cast %get3A_558 : i32 to index
      %get3A_561 = arith.constant 16 : index
      %get3A_562 = tpu.vector_load %arg10[%get3A_559, %get3A_560, %get3A_561] {strides = array<i32>} : memref<80x2x128xi32, #tpu.memory_space<vmem>>, vector<16xi32>,
      %get3A_563 = arith.constant 1 : i32
      %get3A_564 = arith.index_cast %scan3A_536 : i32 to index
      %get3A_565 = arith.index_cast %get3A_563 : i32 to index
      %get3A_566 = arith.constant 16 : index
      %get3A_567 = tpu.vector_load %arg10[%get3A_564, %get3A_565, %get3A_566] {strides = array<i32>} : memref<80x2x128xi32, #tpu.memory_space<vmem>>, vector<16xi32>,
      %gather3A_568 = tpu.vector_load_idx %arg7[%get3A_562] : memref<10240xf32, #tpu.memory_space<vmem>>[vector<16xi32>], vector<16xf32>,
      %gather3A_569 = tpu.vector_load_idx %arg8[%get3A_567] : memref<10240xf32, #tpu.memory_space<vmem>>[vector<16xi32>], vector<16xf32>,
      %add3A_570 = arith.addf %gather3A_568, %gather3A_569 : vector<16xf32>
      %mul3A_571 = arith.constant 2.000000e-01 : f32
      %mul3A_572 = vector.broadcast %mul3A_571 : f32 to vector<16xf32>
      %mul3A_573 = arith.mulf %mul3A_572, %add3A_570 : vector<16xf32>
      %max3A_574 = arith.maximumf %add3A_570, %mul3A_573 : vector<16xf32>
      %sub3A_575 = vector.broadcast %max3A : f32 to vector<16xf32>
      %sub3A_576 = arith.subf %max3A_574, %sub3A_575 : vector<16xf32>
      %exp3A_577 = math.exp %sub3A_576 : vector<16xf32>
      %swap3A_578 = arith.index_cast %scan3A_536 : i32 to index
      %swap3A_579 = arith.constant 16 : index
      %swap3A_580 = tpu.vector_load %arg11[%swap3A_578, %swap3A_579] {strides = array<i32>} : memref<80x128xf32, #tpu.memory_space<vmem>>, vector<16xf32>,
      tpu.vector_store %arg11[%swap3A_578, %swap3A_579], %exp3A_577 {strides = array<i32>} : memref<80x128xf32, #tpu.memory_space<vmem>>, vector<16xf32>,
      %get3A_581 = arith.constant 0 : i32
      %get3A_582 = arith.index_cast %scan3A_536 : i32 to index
      %get3A_583 = arith.index_cast %get3A_581 : i32 to index
      %get3A_584 = arith.constant 32 : index
      %get3A_585 = tpu.vector_load %arg10[%get3A_582, %get3A_583, %get3A_584] {strides = array<i32>} : memref<80x2x128xi32, #tpu.memory_space<vmem>>, vector<16xi32>,
      %get3A_586 = arith.constant 1 : i32
      %get3A_587 = arith.index_cast %scan3A_536 : i32 to index
      %get3A_588 = arith.index_cast %get3A_586 : i32 to index
      %get3A_589 = arith.constant 32 : index
      %get3A_590 = tpu.vector_load %arg10[%get3A_587, %get3A_588, %get3A_589] {strides = array<i32>} : memref<80x2x128xi32, #tpu.memory_space<vmem>>, vector<16xi32>,
      %gather3A_591 = tpu.vector_load_idx %arg7[%get3A_585] : memref<10240xf32, #tpu.memory_space<vmem>>[vector<16xi32>], vector<16xf32>,
      %gather3A_592 = tpu.vector_load_idx %arg8[%get3A_590] : memref<10240xf32, #tpu.memory_space<vmem>>[vector<16xi32>], vector<16xf32>,
      %add3A_593 = arith.addf %gather3A_591, %gather3A_592 : vector<16xf32>
      %mul3A_594 = arith.constant 2.000000e-01 : f32
      %mul3A_595 = vector.broadcast %mul3A_594 : f32 to vector<16xf32>
      %mul3A_596 = arith.mulf %mul3A_595, %add3A_593 : vector<16xf32>
      %max3A_597 = arith.maximumf %add3A_593, %mul3A_596 : vector<16xf32>
      %sub3A_598 = vector.broadcast %max3A : f32 to vector<16xf32>
      %sub3A_599 = arith.subf %max3A_597, %sub3A_598 : vector<16xf32>
      %exp3A_600 = math.exp %sub3A_599 : vector<16xf32>
      %swap3A_601 = arith.index_cast %scan3A_536 : i32 to index
      %swap3A_602 = arith.constant 32 : index
      %swap3A_603 = tpu.vector_load %arg11[%swap3A_601, %swap3A_602] {strides = array<i32>} : memref<80x128xf32, #tpu.memory_space<vmem>>, vector<16xf32>,
      tpu.vector_store %arg11[%swap3A_601, %swap3A_602], %exp3A_600 {strides = array<i32>} : memref<80x128xf32, #tpu.memory_space<vmem>>, vector<16xf32>,
      %get3A_604 = arith.constant 0 : i32
      %get3A_605 = arith.index_cast %scan3A_536 : i32 to index
      %get3A_606 = arith.index_cast %get3A_604 : i32 to index
      %get3A_607 = arith.constant 48 : index
      %get3A_608 = tpu.vector_load %arg10[%get3A_605, %get3A_606, %get3A_607] {strides = array<i32>} : memref<80x2x128xi32, #tpu.memory_space<vmem>>, vector<16xi32>,
      %get3A_609 = arith.constant 1 : i32
      %get3A_610 = arith.index_cast %scan3A_536 : i32 to index
      %get3A_611 = arith.index_cast %get3A_609 : i32 to index
      %get3A_612 = arith.constant 48 : index
      %get3A_613 = tpu.vector_load %arg10[%get3A_610, %get3A_611, %get3A_612] {strides = array<i32>} : memref<80x2x128xi32, #tpu.memory_space<vmem>>, vector<16xi32>,
      %gather3A_614 = tpu.vector_load_idx %arg7[%get3A_608] : memref<10240xf32, #tpu.memory_space<vmem>>[vector<16xi32>], vector<16xf32>,
      %gather3A_615 = tpu.vector_load_idx %arg8[%get3A_613] : memref<10240xf32, #tpu.memory_space<vmem>>[vector<16xi32>], vector<16xf32>,
      %add3A_616 = arith.addf %gather3A_614, %gather3A_615 : vector<16xf32>
      %mul3A_617 = arith.constant 2.000000e-01 : f32
      %mul3A_618 = vector.broadcast %mul3A_617 : f32 to vector<16xf32>
      %mul3A_619 = arith.mulf %mul3A_618, %add3A_616 : vector<16xf32>
      %max3A_620 = arith.maximumf %add3A_616, %mul3A_619 : vector<16xf32>
      %sub3A_621 = vector.broadcast %max3A : f32 to vector<16xf32>
      %sub3A_622 = arith.subf %max3A_620, %sub3A_621 : vector<16xf32>
      %exp3A_623 = math.exp %sub3A_622 : vector<16xf32>
      %swap3A_624 = arith.index_cast %scan3A_536 : i32 to index
      %swap3A_625 = arith.constant 48 : index
      %swap3A_626 = tpu.vector_load %arg11[%swap3A_624, %swap3A_625] {strides = array<i32>} : memref<80x128xf32, #tpu.memory_space<vmem>>, vector<16xf32>,
      tpu.vector_store %arg11[%swap3A_624, %swap3A_625], %exp3A_623 {strides = array<i32>} : memref<80x128xf32, #tpu.memory_space<vmem>>, vector<16xf32>,
      %get3A_627 = arith.constant 0 : i32
      %get3A_628 = arith.index_cast %scan3A_536 : i32 to index
      %get3A_629 = arith.index_cast %get3A_627 : i32 to index
      %get3A_630 = arith.constant 64 : index
      %get3A_631 = tpu.vector_load %arg10[%get3A_628, %get3A_629, %get3A_630] {strides = array<i32>} : memref<80x2x128xi32, #tpu.memory_space<vmem>>, vector<16xi32>,
      %get3A_632 = arith.constant 1 : i32
      %get3A_633 = arith.index_cast %scan3A_536 : i32 to index
      %get3A_634 = arith.index_cast %get3A_632 : i32 to index
      %get3A_635 = arith.constant 64 : index
      %get3A_636 = tpu.vector_load %arg10[%get3A_633, %get3A_634, %get3A_635] {strides = array<i32>} : memref<80x2x128xi32, #tpu.memory_space<vmem>>, vector<16xi32>,
      %gather3A_637 = tpu.vector_load_idx %arg7[%get3A_631] : memref<10240xf32, #tpu.memory_space<vmem>>[vector<16xi32>], vector<16xf32>,
      %gather3A_638 = tpu.vector_load_idx %arg8[%get3A_636] : memref<10240xf32, #tpu.memory_space<vmem>>[vector<16xi32>], vector<16xf32>,
      %add3A_639 = arith.addf %gather3A_637, %gather3A_638 : vector<16xf32>
      %mul3A_640 = arith.constant 2.000000e-01 : f32
      %mul3A_641 = vector.broadcast %mul3A_640 : f32 to vector<16xf32>
      %mul3A_642 = arith.mulf %mul3A_641, %add3A_639 : vector<16xf32>
      %max3A_643 = arith.maximumf %add3A_639, %mul3A_642 : vector<16xf32>
      %sub3A_644 = vector.broadcast %max3A : f32 to vector<16xf32>
      %sub3A_645 = arith.subf %max3A_643, %sub3A_644 : vector<16xf32>
      %exp3A_646 = math.exp %sub3A_645 : vector<16xf32>
      %swap3A_647 = arith.index_cast %scan3A_536 : i32 to index
      %swap3A_648 = arith.constant 64 : index
      %swap3A_649 = tpu.vector_load %arg11[%swap3A_647, %swap3A_648] {strides = array<i32>} : memref<80x128xf32, #tpu.memory_space<vmem>>, vector<16xf32>,
      tpu.vector_store %arg11[%swap3A_647, %swap3A_648], %exp3A_646 {strides = array<i32>} : memref<80x128xf32, #tpu.memory_space<vmem>>, vector<16xf32>,
      %get3A_650 = arith.constant 0 : i32
      %get3A_651 = arith.index_cast %scan3A_536 : i32 to index
      %get3A_652 = arith.index_cast %get3A_650 : i32 to index
      %get3A_653 = arith.constant 80 : index
      %get3A_654 = tpu.vector_load %arg10[%get3A_651, %get3A_652, %get3A_653] {strides = array<i32>} : memref<80x2x128xi32, #tpu.memory_space<vmem>>, vector<16xi32>,
      %get3A_655 = arith.constant 1 : i32
      %get3A_656 = arith.index_cast %scan3A_536 : i32 to index
      %get3A_657 = arith.index_cast %get3A_655 : i32 to index
      %get3A_658 = arith.constant 80 : index
      %get3A_659 = tpu.vector_load %arg10[%get3A_656, %get3A_657, %get3A_658] {strides = array<i32>} : memref<80x2x128xi32, #tpu.memory_space<vmem>>, vector<16xi32>,
      %gather3A_660 = tpu.vector_load_idx %arg7[%get3A_654] : memref<10240xf32, #tpu.memory_space<vmem>>[vector<16xi32>], vector<16xf32>,
      %gather3A_661 = tpu.vector_load_idx %arg8[%get3A_659] : memref<10240xf32, #tpu.memory_space<vmem>>[vector<16xi32>], vector<16xf32>,
      %add3A_662 = arith.addf %gather3A_660, %gather3A_661 : vector<16xf32>
      %mul3A_663 = arith.constant 2.000000e-01 : f32
      %mul3A_664 = vector.broadcast %mul3A_663 : f32 to vector<16xf32>
      %mul3A_665 = arith.mulf %mul3A_664, %add3A_662 : vector<16xf32>
      %max3A_666 = arith.maximumf %add3A_662, %mul3A_665 : vector<16xf32>
      %sub3A_667 = vector.broadcast %max3A : f32 to vector<16xf32>
      %sub3A_668 = arith.subf %max3A_666, %sub3A_667 : vector<16xf32>
      %exp3A_669 = math.exp %sub3A_668 : vector<16xf32>
      %swap3A_670 = arith.index_cast %scan3A_536 : i32 to index
      %swap3A_671 = arith.constant 80 : index
      %swap3A_672 = tpu.vector_load %arg11[%swap3A_670, %swap3A_671] {strides = array<i32>} : memref<80x128xf32, #tpu.memory_space<vmem>>, vector<16xf32>,
      tpu.vector_store %arg11[%swap3A_670, %swap3A_671], %exp3A_669 {strides = array<i32>} : memref<80x128xf32, #tpu.memory_space<vmem>>, vector<16xf32>,
      %get3A_673 = arith.constant 0 : i32
      %get3A_674 = arith.index_cast %scan3A_536 : i32 to index
      %get3A_675 = arith.index_cast %get3A_673 : i32 to index
      %get3A_676 = arith.constant 96 : index
      %get3A_677 = tpu.vector_load %arg10[%get3A_674, %get3A_675, %get3A_676] {strides = array<i32>} : memref<80x2x128xi32, #tpu.memory_space<vmem>>, vector<16xi32>,
      %get3A_678 = arith.constant 1 : i32
      %get3A_679 = arith.index_cast %scan3A_536 : i32 to index
      %get3A_680 = arith.index_cast %get3A_678 : i32 to index
      %get3A_681 = arith.constant 96 : index
      %get3A_682 = tpu.vector_load %arg10[%get3A_679, %get3A_680, %get3A_681] {strides = array<i32>} : memref<80x2x128xi32, #tpu.memory_space<vmem>>, vector<16xi32>,
      %gather3A_683 = tpu.vector_load_idx %arg7[%get3A_677] : memref<10240xf32, #tpu.memory_space<vmem>>[vector<16xi32>], vector<16xf32>,
      %gather3A_684 = tpu.vector_load_idx %arg8[%get3A_682] : memref<10240xf32, #tpu.memory_space<vmem>>[vector<16xi32>], vector<16xf32>,
      %add3A_685 = arith.addf %gather3A_683, %gather3A_684 : vector<16xf32>
      %mul3A_686 = arith.constant 2.000000e-01 : f32
      %mul3A_687 = vector.broadcast %mul3A_686 : f32 to vector<16xf32>
      %mul3A_688 = arith.mulf %mul3A_687, %add3A_685 : vector<16xf32>
      %max3A_689 = arith.maximumf %add3A_685, %mul3A_688 : vector<16xf32>
      %sub3A_690 = vector.broadcast %max3A : f32 to vector<16xf32>
      %sub3A_691 = arith.subf %max3A_689, %sub3A_690 : vector<16xf32>
      %exp3A_692 = math.exp %sub3A_691 : vector<16xf32>
      %swap3A_693 = arith.index_cast %scan3A_536 : i32 to index
      %swap3A_694 = arith.constant 96 : index
      %swap3A_695 = tpu.vector_load %arg11[%swap3A_693, %swap3A_694] {strides = array<i32>} : memref<80x128xf32, #tpu.memory_space<vmem>>, vector<16xf32>,
      tpu.vector_store %arg11[%swap3A_693, %swap3A_694], %exp3A_692 {strides = array<i32>} : memref<80x128xf32, #tpu.memory_space<vmem>>, vector<16xf32>,
      %get3A_696 = arith.constant 0 : i32
      %get3A_697 = arith.index_cast %scan3A_536 : i32 to index
      %get3A_698 = arith.index_cast %get3A_696 : i32 to index
      %get3A_699 = arith.constant 112 : index
      %get3A_700 = tpu.vector_load %arg10[%get3A_697, %get3A_698, %get3A_699] {strides = array<i32>} : memref<80x2x128xi32, #tpu.memory_space<vmem>>, vector<16xi32>,
      %get3A_701 = arith.constant 1 : i32
      %get3A_702 = arith.index_cast %scan3A_536 : i32 to index
      %get3A_703 = arith.index_cast %get3A_701 : i32 to index
      %get3A_704 = arith.constant 112 : index
      %get3A_705 = tpu.vector_load %arg10[%get3A_702, %get3A_703, %get3A_704] {strides = array<i32>} : memref<80x2x128xi32, #tpu.memory_space<vmem>>, vector<16xi32>,
      %gather3A_706 = tpu.vector_load_idx %arg7[%get3A_700] : memref<10240xf32, #tpu.memory_space<vmem>>[vector<16xi32>], vector<16xf32>,
      %gather3A_707 = tpu.vector_load_idx %arg8[%get3A_705] : memref<10240xf32, #tpu.memory_space<vmem>>[vector<16xi32>], vector<16xf32>,
      %add3A_708 = arith.addf %gather3A_706, %gather3A_707 : vector<16xf32>
      %mul3A_709 = arith.constant 2.000000e-01 : f32
      %mul3A_710 = vector.broadcast %mul3A_709 : f32 to vector<16xf32>
      %mul3A_711 = arith.mulf %mul3A_710, %add3A_708 : vector<16xf32>
      %max3A_712 = arith.maximumf %add3A_708, %mul3A_711 : vector<16xf32>
      %sub3A_713 = vector.broadcast %max3A : f32 to vector<16xf32>
      %sub3A_714 = arith.subf %max3A_712, %sub3A_713 : vector<16xf32>
      %exp3A_715 = math.exp %sub3A_714 : vector<16xf32>
      %swap3A_716 = arith.index_cast %scan3A_536 : i32 to index
      %swap3A_717 = arith.constant 112 : index
      %swap3A_718 = tpu.vector_load %arg11[%swap3A_716, %swap3A_717] {strides = array<i32>} : memref<80x128xf32, #tpu.memory_space<vmem>>, vector<16xf32>,
      tpu.vector_store %arg11[%swap3A_716, %swap3A_717], %exp3A_715 {strides = array<i32>} : memref<80x128xf32, #tpu.memory_space<vmem>>, vector<16xf32>,
      %dma_start3A_719 = arith.constant 1 : i32
      %dma_start3A_720 = arith.constant 0 : i32
      %dma_start3A_721 = tpu.memref_slice %arg11[%scan3A_536, %dma_start3A_720] : memref<80x128xf32, #tpu.memory_space<vmem>> -> memref<1x128xf32, #tpu.memory_space<vmem>>
      %dma_start3A_722 = tpu.memref_squeeze %dma_start3A_721 : memref<1x128xf32, #tpu.memory_space<vmem>> -> memref<128xf32, #tpu.memory_space<vmem>>
      %dma_start3A_723 = arith.constant 0 : i32
      %dma_start3A_724 = tpu.memref_slice %arg10[%scan3A_536, %dma_start3A_719, %dma_start3A_723] : memref<80x2x128xi32, #tpu.memory_space<vmem>> -> memref<1x1x128xi32, #tpu.memory_space<vmem>>
      %dma_start3A_725 = tpu.memref_squeeze %dma_start3A_724 : memref<1x1x128xi32, #tpu.memory_space<vmem>> -> memref<128xi32, #tpu.memory_space<vmem>>
      %dma_start3A_726 = arith.constant 0 : i32
      %dma_start3A_727 = tpu.memref_slice %arg13[%dma_start3A_726] : memref<10240xf32, #tpu.memory_space<vmem_shared>> -> memref<10240xf32, #tpu.memory_space<vmem_shared>>
      tpu.enqueue_indirect_dma source(%dma_start3A_722 : memref<128xf32, #tpu.memory_space<vmem>>) target(%dma_start3A_727 : memref<10240xf32, #tpu.memory_space<vmem_shared>>) offsets(%dma_start3A_725 : memref<128xi32, #tpu.memory_space<vmem>>) semaphore(%arg14 : memref<!tpu.dma_semaphore, #tpu.memory_space<semaphore_mem>>) {add = true}
    }
    %scan3A_520 = arith.constant 80 : i32
    %dma_wait3A_521 = arith.constant 0 : i32
    %dma_wait3A_522 = arith.constant 0 : i32
    %dma_wait3A_523 = tpu.memref_slice %arg2[%dma_wait3A_521, %dma_wait3A_522] : memref<8x10240xf32, #tpu.memory_space<hbm>> -> memref<1x10240xf32, #tpu.memory_space<hbm>>
    %dma_wait3A_524 = tpu.memref_squeeze %dma_wait3A_523 : memref<1x10240xf32, #tpu.memory_space<hbm>> -> memref<10240xf32, #tpu.memory_space<hbm>>
    %dma_wait3A_525 = arith.constant 0 : i32
    %dma_wait3A_526 = tpu.memref_slice %arg2[%dma_wait3A_521, %dma_wait3A_525] : memref<8x10240xf32, #tpu.memory_space<hbm>> -> memref<1x10240xf32, #tpu.memory_space<hbm>>
    %dma_wait3A_527 = tpu.memref_squeeze %dma_wait3A_526 : memref<1x10240xf32, #tpu.memory_space<hbm>> -> memref<10240xf32, #tpu.memory_space<hbm>>
    tpu.wait_dma2 semaphore(%arg14 : memref<!tpu.dma_semaphore, #tpu.memory_space<semaphore_mem>>) src(%dma_wait3A_527 : memref<10240xf32, #tpu.memory_space<hbm>>) dst(%arg7 : memref<10240xf32, #tpu.memory_space<vmem>>)
    %barrier3A_528 = arith.constant 0 : index
    tpu.barrier barrier_id(%barrier3A_528)
    %mul3A_529 = arith.constant 640 : i32
    %mul3A_530 = arith.muli %arg1, %mul3A_529 : i32
    "tpu.region"() ({
      %run_scoped3A = tpu.sem_alloc : memref<!tpu.dma_semaphore, #tpu.memory_space<semaphore_mem>>
      %dma_start3A_536 = tpu.memref_slice %arg13[%mul3A_530] : memref<10240xf32, #tpu.memory_space<vmem_shared>> -> memref<640xf32, #tpu.memory_space<vmem_shared>>
      %dma_start3A_537 = tpu.memref_slice %arg13[%mul3A_530] : memref<10240xf32, #tpu.memory_space<vmem_shared>> -> memref<640xf32, #tpu.memory_space<vmem_shared>>
      tpu.enqueue_dma source(%dma_start3A_537 : memref<640xf32, #tpu.memory_space<vmem_shared>>) target(%arg12 : memref<640xf32, #tpu.memory_space<vmem>>) target_semaphore(%run_scoped3A : memref<!tpu.dma_semaphore, #tpu.memory_space<semaphore_mem>>)
      %dma_wait3A_538 = tpu.memref_slice %arg13[%mul3A_530] : memref<10240xf32, #tpu.memory_space<vmem_shared>> -> memref<640xf32, #tpu.memory_space<vmem_shared>>
      %dma_wait3A_539 = tpu.memref_slice %arg13[%mul3A_530] : memref<10240xf32, #tpu.memory_space<vmem_shared>> -> memref<640xf32, #tpu.memory_space<vmem_shared>>
      tpu.wait_dma2 semaphore(%run_scoped3A : memref<!tpu.dma_semaphore, #tpu.memory_space<semaphore_mem>>) src(%dma_wait3A_539 : memref<640xf32, #tpu.memory_space<vmem_shared>>) dst(%arg12 : memref<640xf32, #tpu.memory_space<vmem>>)
      tpu.yield
    }) : () -> ()
    %mul3A_531 = arith.constant 8 : i32
    %mul3A_532 = arith.muli %mul3A_531, %arg0 : i32
    %multiple_of3A_533 = tpu.assume_multiple %mul3A_532, 8 : i32
    %mul3A_534 = arith.constant 640 : i32
    %mul3A_535 = arith.muli %arg1, %mul3A_534 : i32
    "tpu.region"() ({
      %run_scoped3A = tpu.sem_alloc : memref<!tpu.dma_semaphore, #tpu.memory_space<semaphore_mem>>
      %dma_start3A_536 = tpu.memref_slice %arg6[%multiple_of3A_533, %mul3A_535] : memref<16x10240xf32, #tpu.memory_space<hbm>> -> memref<1x640xf32, #tpu.memory_space<hbm>>
      %dma_start3A_537 = tpu.memref_squeeze %dma_start3A_536 : memref<1x640xf32, #tpu.memory_space<hbm>> -> memref<640xf32, #tpu.memory_space<hbm>>
      %dma_start3A_538 = tpu.memref_slice %arg6[%multiple_of3A_533, %mul3A_535] : memref<16x10240xf32, #tpu.memory_space<hbm>> -> memref<1x640xf32, #tpu.memory_space<hbm>>
      %dma_start3A_539 = tpu.memref_squeeze %dma_start3A_538 : memref<1x640xf32, #tpu.memory_space<hbm>> -> memref<640xf32, #tpu.memory_space<hbm>>
      tpu.enqueue_dma source(%arg12 : memref<640xf32, #tpu.memory_space<vmem>>) target(%dma_start3A_539 : memref<640xf32, #tpu.memory_space<hbm>>) target_semaphore(%run_scoped3A : memref<!tpu.dma_semaphore, #tpu.memory_space<semaphore_mem>>)
      %dma_wait3A_540 = tpu.memref_slice %arg6[%multiple_of3A_533, %mul3A_535] : memref<16x10240xf32, #tpu.memory_space<hbm>> -> memref<1x640xf32, #tpu.memory_space<hbm>>
      %dma_wait3A_541 = tpu.memref_squeeze %dma_wait3A_540 : memref<1x640xf32, #tpu.memory_space<hbm>> -> memref<640xf32, #tpu.memory_space<hbm>>
      %dma_wait3A_542 = tpu.memref_slice %arg6[%multiple_of3A_533, %mul3A_535] : memref<16x10240xf32, #tpu.memory_space<hbm>> -> memref<1x640xf32, #tpu.memory_space<hbm>>
      %dma_wait3A_543 = tpu.memref_squeeze %dma_wait3A_542 : memref<1x640xf32, #tpu.memory_space<hbm>> -> memref<640xf32, #tpu.memory_space<hbm>>
      tpu.wait_dma2 semaphore(%run_scoped3A : memref<!tpu.dma_semaphore, #tpu.memory_space<semaphore_mem>>) src(%arg12 : memref<640xf32, #tpu.memory_space<vmem>>) dst(%dma_wait3A_543 : memref<640xf32, #tpu.memory_space<hbm>>)
      tpu.yield
    }) : () -> ()
    return
  }
}

module attributes {stable_mosaic.version = 14 : i64} {
  func.func @_mm_body(%arg0: i32, %arg1: memref<1024x128xf32, #tpu.memory_space<vmem>>, %arg2: memref<128x128xf32, #tpu.memory_space<vmem>>, %arg3: memref<2x128xf32, #tpu.memory_space<vmem>>, %arg4: memref<8x1024xf32, #tpu.memory_space<vmem>>, %arg5: memref<8x1024xf32, #tpu.memory_space<vmem>>, %arg6: memref<8x128xf32, #tpu.memory_space<vmem>>) attributes {dimension_semantics = [#tpu.dimension_semantics<arbitrary>], iteration_bounds = array<i64: 10>, scalar_prefetch = 0 : i64, scratch_operands = 0 : i64, tpu.core_type = #tpu.core_type<tc>, window_params = [{transform_indices = @transform_0, window_bounds = array<i64: 1024, 128>}, {pipeline_mode = #tpu.pipeline_mode<synchronous>, transform_indices = @transform_1, window_bounds = array<i64: 128, 128>}, {pipeline_mode = #tpu.pipeline_mode<synchronous>, transform_indices = @transform_2, window_bounds = array<i64: 2, 128>}, {transform_indices = @transform_3, window_bounds = array<i64: 8, 1024>}, {transform_indices = @transform_4, window_bounds = array<i64: 8, 1024>}, {pipeline_mode = #tpu.pipeline_mode<synchronous>, transform_indices = @transform_5, window_bounds = array<i64: 8, 128>}]} {
    %get3A = arith.constant 0 : index
    %get3A_0 = arith.constant 0 : index
    %get3A_1 = vector.load %arg1[%get3A, %get3A_0] : memref<1024x128xf32, #tpu.memory_space<vmem>>, vector<1024x128xf32>
    %get3A_2 = arith.constant 0 : index
    %get3A_3 = arith.constant 0 : index
    %get3A_4 = vector.load %arg2[%get3A_2, %get3A_3] : memref<128x128xf32, #tpu.memory_space<vmem>>, vector<128x128xf32>
    %dot_general3A = arith.constant dense<0.000000e+00> : vector<1024x128xf32>
    %dot_general3A_5 = tpu.matmul %get3A_1, %get3A_4, %dot_general3A {dimension_numbers = #tpu.dot_dimension_numbers<[1], [0], [0], [1], [0, 0, 1, 1], [], []>, transpose_lhs_hint = false} : vector<1024x128xf32>, vector<128x128xf32>, vector<1024x128xf32> -> vector<1024x128xf32>
    %get3A_6 = arith.constant 0 : index
    %get3A_7 = arith.constant 0 : index
    %get3A_8 = vector.load %arg3[%get3A_6, %get3A_7] : memref<2x128xf32, #tpu.memory_space<vmem>>, vector<2x128xf32>
    %dot_general3A_9 = arith.constant dense<0.000000e+00> : vector<2x1024xf32>
    %dot_general3A_10 = tpu.matmul %get3A_8, %dot_general3A_5, %dot_general3A_9 {dimension_numbers = #tpu.dot_dimension_numbers<[1], [1], [0], [0], [0, 0, 1, 0], [], []>, transpose_lhs_hint = false} : vector<2x128xf32>, vector<1024x128xf32>, vector<2x1024xf32> -> vector<2x1024xf32>
    %mul3A = arith.constant 1024 : i32
    %mul3A_11 = arith.muli %arg0, %mul3A : i32
    %iota3A = tpu.iota {dimensions = array<i32: 1>} : vector<1x1024xi32>
    %add3A = vector.broadcast %mul3A_11 : i32 to vector<1x1024xi32>
    %add3A_12 = arith.addi %add3A, %iota3A : vector<1x1024xi32>
    %lt3A = arith.constant 10000 : i32
    %lt3A_13 = vector.broadcast %lt3A : i32 to vector<1x1024xi32>
    %lt3A_14 = arith.cmpi slt, %add3A_12, %lt3A_13 : vector<1x1024xi32>
    %jit3A = arith.constant 0.000000e+00 : f32
    %broadcast_in_dim3A = vector.shape_cast %lt3A_14 : vector<1x1024xi1> to vector<1x1024xi1>
    %broadcast_in_dim3A_15 = vector.broadcast %broadcast_in_dim3A : vector<1x1024xi1> to vector<2x1024xi1>
    %broadcast_in_dim3A_16 = vector.broadcast %jit3A : f32 to vector<2x1024xf32>
    %select_n3A = arith.select %broadcast_in_dim3A_15, %dot_general3A_10, %broadcast_in_dim3A_16 : vector<2x1024xi1>, vector<2x1024xf32>
    %broadcast_in_dim3A_17 = arith.constant 0.000000e+00 : f32
    %broadcast_in_dim3A_18 = vector.broadcast %broadcast_in_dim3A_17 : f32 to vector<7x1024xf32>
    %slice3A = vector.extract_strided_slice %select_n3A {offsets = [0, 0], sizes = [1, 1024], strides = [1, 1]} : vector<2x1024xf32> to vector<1x1024xf32>
    %concatenate3A = tpu.concatenate %slice3A, %broadcast_in_dim3A_18 in 0 : vector<1x1024xf32>, vector<7x1024xf32> -> vector<8x1024xf32>
    %swap3A = arith.constant 0 : index
    %swap3A_19 = arith.constant 0 : index
    %swap3A_20 = vector.load %arg4[%swap3A, %swap3A_19] : memref<8x1024xf32, #tpu.memory_space<vmem>>, vector<8x1024xf32>
    tpu.vector_store %arg4[%swap3A, %swap3A_19], %concatenate3A {strides = array<i32>} : memref<8x1024xf32, #tpu.memory_space<vmem>>, vector<8x1024xf32>,
    %slice3A_21 = vector.extract_strided_slice %select_n3A {offsets = [1, 0], sizes = [1, 1024], strides = [1, 1]} : vector<2x1024xf32> to vector<1x1024xf32>
    %concatenate3A_22 = tpu.concatenate %slice3A_21, %broadcast_in_dim3A_18 in 0 : vector<1x1024xf32>, vector<7x1024xf32> -> vector<8x1024xf32>
    %swap3A_23 = arith.constant 0 : index
    %swap3A_24 = arith.constant 0 : index
    %swap3A_25 = vector.load %arg5[%swap3A_23, %swap3A_24] : memref<8x1024xf32, #tpu.memory_space<vmem>>, vector<8x1024xf32>
    tpu.vector_store %arg5[%swap3A_23, %swap3A_24], %concatenate3A_22 {strides = array<i32>} : memref<8x1024xf32, #tpu.memory_space<vmem>>, vector<8x1024xf32>,
    %jit3A_26 = arith.constant -3.000000e+38 : f32
    %broadcast_in_dim3A_27 = vector.shape_cast %lt3A_14 : vector<1x1024xi1> to vector<1x1024xi1>
    %broadcast_in_dim3A_28 = vector.broadcast %broadcast_in_dim3A_27 : vector<1x1024xi1> to vector<2x1024xi1>
    %broadcast_in_dim3A_29 = vector.broadcast %jit3A_26 : f32 to vector<2x1024xf32>
    %select_n3A_30 = arith.select %broadcast_in_dim3A_28, %dot_general3A_10, %broadcast_in_dim3A_29 : vector<2x1024xi1>, vector<2x1024xf32>
    %slice3A_31 = vector.extract_strided_slice %select_n3A_30 {offsets = [0, 0], sizes = [1, 1024], strides = [1, 1]} : vector<2x1024xf32> to vector<1x1024xf32>
    %reduce_max3A = vector.shape_cast %slice3A_31 : vector<1x1024xf32> to vector<1x1x1024xf32>
    %reduce_max3A_32 = arith.constant dense<0xFF800000> : vector<1xf32>
    %reduce_max3A_33 = vector.multi_reduction <maximumf>, %reduce_max3A, %reduce_max3A_32 [1, 2] : vector<1x1x1024xf32> to vector<1xf32>
    %reduce_max3A_34 = vector.shape_cast %reduce_max3A_33 : vector<1xf32> to vector<1x1x1xf32>
    %reduce_max3A_35 = vector.extract %reduce_max3A_34[0, 0, 0] : f32 from vector<1x1x1xf32>
    %slice3A_36 = vector.extract_strided_slice %select_n3A_30 {offsets = [1, 0], sizes = [1, 1024], strides = [1, 1]} : vector<2x1024xf32> to vector<1x1024xf32>
    %reduce_max3A_37 = vector.shape_cast %slice3A_36 : vector<1x1024xf32> to vector<1x1x1024xf32>
    %reduce_max3A_38 = arith.constant dense<0xFF800000> : vector<1xf32>
    %reduce_max3A_39 = vector.multi_reduction <maximumf>, %reduce_max3A_37, %reduce_max3A_38 [1, 2] : vector<1x1x1024xf32> to vector<1xf32>
    %reduce_max3A_40 = vector.shape_cast %reduce_max3A_39 : vector<1xf32> to vector<1x1x1xf32>
    %reduce_max3A_41 = vector.extract %reduce_max3A_40[0, 0, 0] : f32 from vector<1x1x1xf32>
    %broadcast_in_dim3A_42 = vector.broadcast %reduce_max3A_35 : f32 to vector<4x128xf32>
    %broadcast_in_dim3A_43 = vector.broadcast %reduce_max3A_41 : f32 to vector<4x128xf32>
    %concatenate3A_44 = tpu.concatenate %broadcast_in_dim3A_42, %broadcast_in_dim3A_43 in 0 : vector<4x128xf32>, vector<4x128xf32> -> vector<8x128xf32>
    %eq3A = arith.constant 0 : i32
    %eq3A_45 = arith.cmpi eq, %arg0, %eq3A : i32
    %convert_element_type3A = arith.extui %eq3A_45 : i1 to i32
    %cond3A = arith.constant 0 : i32
    %cond3A_46 = arith.cmpi ne, %convert_element_type3A, %cond3A : i32
    scf.if %cond3A_46 {
      %broadcast_in_dim3A_53 = arith.constant -3.000000e+38 : f32
      %broadcast_in_dim3A_54 = vector.broadcast %broadcast_in_dim3A_53 : f32 to vector<8x128xf32>
      %swap3A_55 = arith.constant 0 : index
      %swap3A_56 = arith.constant 0 : index
      %swap3A_57 = vector.load %arg6[%swap3A_55, %swap3A_56] : memref<8x128xf32, #tpu.memory_space<vmem>>, vector<8x128xf32>
      tpu.vector_store %arg6[%swap3A_55, %swap3A_56], %broadcast_in_dim3A_54 {strides = array<i32>} : memref<8x128xf32, #tpu.memory_space<vmem>>, vector<8x128xf32>,
    } else {
    }
    %get3A_47 = arith.constant 0 : index
    %get3A_48 = arith.constant 0 : index
    %get3A_49 = vector.load %arg6[%get3A_47, %get3A_48] : memref<8x128xf32, #tpu.memory_space<vmem>>, vector<8x128xf32>
    %max3A = arith.maximumf %get3A_49, %concatenate3A_44 : vector<8x128xf32>
    %swap3A_50 = arith.constant 0 : index
    %swap3A_51 = arith.constant 0 : index
    %swap3A_52 = vector.load %arg6[%swap3A_50, %swap3A_51] : memref<8x128xf32, #tpu.memory_space<vmem>>, vector<8x128xf32>
    tpu.vector_store %arg6[%swap3A_50, %swap3A_51], %max3A {strides = array<i32>} : memref<8x128xf32, #tpu.memory_space<vmem>>, vector<8x128xf32>,
    return
  }
  func.func @transform_0(%arg0: i32) -> (i32, i32) {
    %c0_i32 = arith.constant 0 : i32
    %c0_i32_0 = arith.constant 0 : i32
    return %arg0, %c0_i32 : i32, i32
  }
  func.func @transform_1(%arg0: i32) -> (i32, i32) {
    %c0_i32 = arith.constant 0 : i32
    %c0_i32_0 = arith.constant 0 : i32
    %c0_i32_1 = arith.constant 0 : i32
    return %c0_i32, %c0_i32_0 : i32, i32
  }
  func.func @transform_2(%arg0: i32) -> (i32, i32) {
    %c0_i32 = arith.constant 0 : i32
    %c0_i32_0 = arith.constant 0 : i32
    %c0_i32_1 = arith.constant 0 : i32
    return %c0_i32, %c0_i32_0 : i32, i32
  }
  func.func @transform_3(%arg0: i32) -> (i32, i32) {
    %c0_i32 = arith.constant 0 : i32
    %c0_i32_0 = arith.constant 0 : i32
    return %c0_i32, %arg0 : i32, i32
  }
  func.func @transform_4(%arg0: i32) -> (i32, i32) {
    %c0_i32 = arith.constant 0 : i32
    %c0_i32_0 = arith.constant 0 : i32
    return %c0_i32, %arg0 : i32, i32
  }
  func.func @transform_5(%arg0: i32) -> (i32, i32) {
    %c0_i32 = arith.constant 0 : i32
    %c0_i32_0 = arith.constant 0 : i32
    %c0_i32_1 = arith.constant 0 : i32
    return %c0_i32, %c0_i32_0 : i32, i32
  }
}

module attributes {stable_mosaic.version = 14 : i64} {
  func.func @_fin_body(%arg0: memref<10000x128xf32, #tpu.memory_space<vmem>>, %arg1: memref<128x128xf32, #tpu.memory_space<vmem>>, %arg2: memref<16x10240xf32, #tpu.memory_space<vmem>>, %arg3: memref<10000x128xf32, #tpu.memory_space<vmem>>) attributes {dimension_semantics = [], scalar_prefetch = 0 : i64, scratch_operands = 0 : i64, tpu.core_type = #tpu.core_type<tc>} {
    %get3A = arith.constant 0 : index
    %get3A_0 = arith.constant 0 : index
    %get3A_1 = vector.load %arg0[%get3A, %get3A_0] : memref<10000x128xf32, #tpu.memory_space<vmem>>, vector<10000x128xf32>
    %get3A_2 = arith.constant 0 : index
    %get3A_3 = arith.constant 0 : index
    %get3A_4 = vector.load %arg1[%get3A_2, %get3A_3] : memref<128x128xf32, #tpu.memory_space<vmem>>, vector<128x128xf32>
    %dot_general3A = arith.constant dense<0.000000e+00> : vector<10000x128xf32>
    %dot_general3A_5 = tpu.matmul %get3A_1, %get3A_4, %dot_general3A {dimension_numbers = #tpu.dot_dimension_numbers<[1], [0], [0], [1], [0, 0, 1, 1], [], []>, transpose_lhs_hint = false} : vector<10000x128xf32>, vector<128x128xf32>, vector<10000x128xf32> -> vector<10000x128xf32>
    %get3A_6 = arith.constant 0 : index
    %get3A_7 = arith.constant 0 : index
    %get3A_8 = vector.load %arg2[%get3A_6, %get3A_7] : memref<16x10240xf32, #tpu.memory_space<vmem>>, vector<1x10240xf32>
    %get3A_9 = arith.constant 8 : index
    %get3A_10 = arith.constant 0 : index
    %get3A_11 = vector.load %arg2[%get3A_9, %get3A_10] : memref<16x10240xf32, #tpu.memory_space<vmem>>, vector<1x10240xf32>
    %add3A = arith.addf %get3A_8, %get3A_11 : vector<1x10240xf32>
    %slice3A = vector.extract_strided_slice %add3A {offsets = [0, 0], sizes = [1, 10000], strides = [1, 1]} : vector<1x10240xf32> to vector<1x10000xf32>
    %reduce_sum3A = vector.shape_cast %slice3A : vector<1x10000xf32> to vector<1x1x10000xf32>
    %reduce_sum3A_12 = arith.constant dense<0.000000e+00> : vector<1xf32>
    %reduce_sum3A_13 = vector.multi_reduction <add>, %reduce_sum3A, %reduce_sum3A_12 [1, 2] : vector<1x1x10000xf32> to vector<1xf32>
    %reduce_sum3A_14 = vector.shape_cast %reduce_sum3A_13 : vector<1xf32> to vector<1x1x1xf32>
    %reduce_sum3A_15 = vector.extract %reduce_sum3A_14[0, 0, 0] : f32 from vector<1x1x1xf32>
    %transpose3A = tpu.transpose %add3A, [1, 0] : vector<1x10240xf32> -> vector<10240x1xf32>
    %slice3A_16 = vector.extract_strided_slice %transpose3A {offsets = [0, 0], sizes = [10000, 1], strides = [1, 1]} : vector<10240x1xf32> to vector<10000x1xf32>
    %div3A = vector.broadcast %reduce_sum3A_15 : f32 to vector<10000x1xf32>
    %div3A_17 = arith.divf %slice3A_16, %div3A : vector<10000x1xf32>
    %mul3A = vector.broadcast %div3A_17 : vector<10000x1xf32> to vector<10000x128xf32>
    %mul3A_18 = arith.mulf %dot_general3A_5, %mul3A : vector<10000x128xf32>
    %swap3A = arith.constant 0 : index
    %swap3A_19 = arith.constant 0 : index
    %swap3A_20 = vector.load %arg3[%swap3A, %swap3A_19] : memref<10000x128xf32, #tpu.memory_space<vmem>>, vector<10000x128xf32>
    tpu.vector_store %arg3[%swap3A, %swap3A_19], %mul3A_18 {strides = array<i32>} : memref<10000x128xf32, #tpu.memory_space<vmem>>, vector<10000x128xf32>,
    return
  }
}

</mosaic_0001>

<sc_bundles>
// kernel: kernel.5.cloned.1.call-start
scs
__scs_entry_jumppad:
0x0: {  	(pc) =	sbr.rel $0x88, $3  }
0x1: {  	(tag) =	ssettag $0x0;
	lr =	simm.s32 $0x1  }
0x2: {  	[smem:$0x3F9D] =	sst lr;
	_ =	strace $0xD0000000  }
0x3: {  	_ = 	snop  }
0x4: {  	_ = 	snop  }
0x5: {  	_ = 	snop  }
0x6: {  	_ = 	snop  }
0x7: {  	_ = 	snop  }
__scs_overlays_trampoline_lowered:
0x8: {  	[smem:$0x3FAC] =	sst s0  }
0x9: {  	[smem:$0x3FAD] =	sst s1  }
0xa: {  	[smem:$0x3FAE] =	sst s2  }
0xb: {  	[smem:$0x3FAF] =	sst s3  }
0xc: {  	[smem:$0x3FB0] =	sst s4  }
0xd: {  	[smem:$0x3FB1] =	sst s5  }
0xe: {  	[smem:$0x3FB2] =	sst s6  }
0xf: {  	[smem:$0x3FB3] =	sst s7  }
0x10: {  	[smem:$0x3FB4] =	sst s8  }
0x11: {  	[smem:$0x3FB5] =	sst s9;
	s0 =	simm.s32 @!p0 $0x0  }
0x12: {  	s1 =	sld [smem:$0x3F9B];
	s0 =	simm.s32 @p0 $0x1  }
0x13: {  	[smem:$0x3FB6] =	sst s0;
	s0 =	simm.s32 @!p1 $0x0  }
0x14: {  	s2 =	sld [smem:$0x3F9A];
	s0 =	simm.s32 @p1 $0x1  }
0x15: {  	[smem:$0x3FB7] =	sst s0;
	s0 =	simm.s32 @!p2 $0x0  }
0x16: {  	s3 =	sld [smem:$0x3FDB];
	s0 =	simm.s32 @p2 $0x1  }
0x17: {  	s4 =	simm.s32 $0x1BF5;
	[smem:$0x3FB9] =	sst s0  }
0x18: {  	s0 =	sld [smem:$0x3F9C];
	_ =	swait.ge [sflag:s4], $0x0  }
0x19: {  	s7 =	sld [smem:$0x3F9D]  }
0x1a: {  	s8 =	sadd.s32 $0xFFFFE003, lr  }
0x1b: {  	s9 =	sadd.s32 $0xFFFFFEF7, lr;
	s5 =	simm.s32 $0xFFFFFFFF;
	p2 =	slt.u32 s8, $0xFFFFF086  }
0x1c: {  	p1 =	slt.u32 s9, $0xF7A;
	s5 =	simm.s32 @!p2 $0x0  }
0x1d: {  	s5 =	simm.s32 @p1 $0x1;
	p0 =	seq.s32 s7, s2  }
0x1e: {  	s7 =	smul.u32 @!p0 $0xF7A, s2;
	p2 =	seq.s32 @!p0 s5, $0x0  }
0x1f: {  	s9 =	smul.u32 $0xF7A, s1;
	s8 =	simm.s32 @!p0 $0x1BF5;
	p2 =	por !p2, p0  }
0x20: {  	[sflag:s8] =	ssyncset.s32 @!p0 $0xFFFFF086;
	s6 =	sadd.s32 @!p0 s3, s7;
	s7 =	simm.s32 @!p0 $0x108  }
0x21: {  	s3 =	sadd.s32 s3, s9;
	s6 =	sadd.s32 @!p0 $0x88, s6;
	s7 =	simm.s32 @p2 $0x1082  }
0x22: {  	[simem:s7], [sflag:s8] =	dma.local @!p0 [hbm:s6], $0xF7A  }
0x23: {  	s9 =	sor.u32 $0xD0000000, s2;
	s6 =	simm.s32 $0x108;
	_ =	swait.ge @!p0 [sflag:s8], $0x0  }
0x24: {  	s3 =	sadd.s32 $0x88, s3;
	s6 =	simm.s32 @!p1 $0x1082;
	[sflag:s4] =	ssyncset.s32 $0xFFFFF086  }
0x25: {  	[simem:s6], [sflag:s4] =	dma.local [hbm:s3], $0xF7A  }
0x26: {  	[smem:$0x3F9D] =	sst s1;
	(tag) =	ssettag s2;
	_ =	strace s9  }
0x27: {  	s1 =	sld [smem:$0x3FAD]  }
0x28: {  	s2 =	sld [smem:$0x3FAE]  }
0x29: {  	s4 =	sld [smem:$0x3FB0]  }
0x2a: {  	p0 =	seq.s32 s5, $0x0;
	s5 =	sld [smem:$0x3FB1]  }
0x2b: {  	s6 =	sld [smem:$0x3FB2]  }
0x2c: {  	s7 =	sld [smem:$0x3FB3]  }
0x2d: {  	s3 =	simm.s32 $0x108;
	s8 =	sld [smem:$0x3FB4]  }
0x2e: {  	s3 =	simm.s32 @!p0 $0x1082;
	s9 =	sld [smem:$0x3FB5]  }
0x2f: {  	lr =	sadd.s32 s0, s3;
	s0 =	sld [smem:$0x3FAC]  }
0x30: {  	s3 =	sld [smem:$0x3FAF]  }
0x31: {  	[smem:$0x3FB8] =	sst s10  }
0x32: {  	s10 =	sld [smem:$0x3FB6];
	_ =	sdelay $0x3  }
0x33: {  	p0 =	seq.s32 s10, $0x1;
	s10 =	sld [smem:$0x3FB8];
	_ =	sdelay $0x3  }
0x34: {  	[smem:$0x3FB8] =	sst s10  }
0x35: {  	s10 =	sld [smem:$0x3FB7];
	_ =	sdelay $0x3  }
0x36: {  	p1 =	seq.s32 s10, $0x1;
	s10 =	sld [smem:$0x3FB8];
	_ =	sdelay $0x3  }
0x37: {  	[smem:$0x3FB8] =	sst s10  }
0x38: {  	s10 =	sld [smem:$0x3FB9]  }
0x39: {  	_ = 	snop;
	(pc) =	sbr.ind lr, $3  }
0x3a: {  	_ = 	snop  }
0x3b: {  	_ = 	snop  }
0x3c: {  	p2 =	seq.s32 s10, $0x1;
	s10 =	sld [smem:$0x3FB8]  }
0x3d: {  	_ =	shalt  }
0x3e: {  	_ =	shalt  }
0x3f: {  	_ =	shalt  }
0x40: {  	_ =	shalt  }
0x41: {  	_ =	shalt  }
0x42: {  	_ =	shalt  }
0x43: {  	_ =	shalt  }
0x44: {  	_ =	shalt  }
0x45: {  	_ =	shalt  }
0x46: {  	_ =	shalt  }
0x47: {  	_ =	shalt  }
0x48: {  	_ =	shalt  }
0x49: {  	_ =	shalt  }
0x4a: {  	_ =	shalt  }
0x4b: {  	_ =	shalt  }
0x4c: {  	_ =	shalt  }
0x4d: {  	_ =	shalt  }
0x4e: {  	_ =	shalt  }
0x4f: {  	_ =	shalt  }
0x50: {  	_ =	shalt  }
0x51: {  	_ =	shalt  }
0x52: {  	_ =	shalt  }
0x53: {  	_ =	shalt  }
0x54: {  	_ =	shalt  }
0x55: {  	_ =	shalt  }
0x56: {  	_ =	shalt  }
0x57: {  	_ =	shalt  }
0x58: {  	_ =	shalt  }
0x59: {  	_ =	shalt  }
0x5a: {  	_ =	shalt  }
0x5b: {  	_ =	shalt  }
0x5c: {  	_ =	shalt  }
0x5d: {  	_ =	shalt  }
0x5e: {  	_ =	shalt  }
0x5f: {  	_ =	shalt  }
0x60: {  	_ =	shalt  }
0x61: {  	_ =	shalt  }
0x62: {  	_ =	shalt  }
0x63: {  	_ =	shalt  }
0x64: {  	_ =	shalt  }
0x65: {  	_ =	shalt  }
0x66: {  	_ =	shalt  }
0x67: {  	_ =	shalt  }
0x68: {  	_ =	shalt  }
0x69: {  	_ =	shalt  }
0x6a: {  	_ =	shalt  }
0x6b: {  	_ =	shalt  }
0x6c: {  	_ =	shalt  }
0x6d: {  	_ =	shalt  }
0x6e: {  	_ =	shalt  }
0x6f: {  	_ =	shalt  }
0x70: {  	_ =	shalt  }
0x71: {  	_ =	shalt  }
0x72: {  	_ =	shalt  }
0x73: {  	_ =	shalt  }
0x74: {  	_ =	shalt  }
0x75: {  	_ =	shalt  }
0x76: {  	_ =	shalt  }
0x77: {  	_ =	shalt  }
0x78: {  	_ =	shalt  }
0x79: {  	_ =	shalt  }
0x7a: {  	_ =	shalt  }
0x7b: {  	_ =	shalt  }
0x7c: {  	_ =	shalt  }
0x7d: {  	_ =	shalt  }
0x7e: {  	_ =	shalt  }
0x7f: {  	_ =	shalt  }
0x80: {  	_ =	shalt  }
0x81: {  	_ =	shalt  }
0x82: {  	_ =	shalt  }
0x83: {  	_ =	shalt  }
0x84: {  	_ =	shalt  }
0x85: {  	_ =	shalt  }
0x86: {  	_ =	shalt  }
0x87: {  	_ =	shalt  }
.Lfunc_end0:
.L_simem_size_0:
called_computation_lowered:
.L_overlay_start_0:
0x88: {  	s2 =	sld [smem:$0x3FD9]  }
0x89: {  	s3 =	sld [smem:$0x3FFE];
	_ =	sdelay $0x1  }
0x8a: {  	s1 =	srdreg.scid  }
0x8b: {  	s0 =	sand.u32 $0x1, s1  }
0x8c: {  	s17 =	sshll.u32 s0, $0xA;
	s2 =	sadd.s32 s3, s2  }
0x8d: {  	s2 =	sadd.s32 s2, s17  }
0x8e: {  	[smem:$0x3FC4] =	sst s2  }
0x8f: {  	_ = 	snop  }
0x90: {  	s2 =	sld [smem:$0x3FC8]  }
0x91: {  	s18 =	sld [smem:$0x3FD0];
	(tm) =	ssettm $0x1  }
0x92: {  	s4 =	sld [smem:$0x3FFB];
	_ =	sdelay $0x3  }
0x93: {  	_ =	strace s4  }
0x94: {  	s4 =	sld [smem:$0x3FFC];
	_ =	sdelay $0x3  }
0x95: {  	_ =	strace s4  }
0x96: {  	s4 =	sld [smem:$0x3FFD];
	_ =	sdelay $0x3  }
0x97: {  	_ =	strace s4  }
0x98: {  	_ =	strace $0x8FFFFFFF  }
0x99: {  	s19 =	sld [smem:$0x3FDB];
	_ =	sdelay $0x1  }
0x9a: {  	s5 =	simm.s32 $_scs_section_size  }
0x9b: {  	s6 =	simm.s32 $_size__tile_overlayer_lowered;
	s7 =	simm.s32 $_tile_overlayer_lowered  }
0x9c: {  	s22 =	simm.s32 $0x1BFF;
	s21 =	sshll.u32 s7, $0x1;
	s4 =	sadd.s32 s5, s19  }
0x9d: {  	s8 =	simm.s32 $0x0;
	s20 =	sshll.u32 s6, $0x1;
	s6 =	sadd.s32 s21, s4  }
0x9e: {  	[timem:s8], [sflag:s22] =	dma.local [hbm:s6], s20  }
0x9f: {  	_ =	swait.ge [sflag:s22], s20  }
0xa0: {  	s5 =	ssub.s32 $0x0, s20;
	[sflag:s22] =	ssyncset.done $0x0  }
0xa1: {  	[sflag:s22] =	ssyncadd.s32 s5;
	_ =	sdelay $0x1  }
0xa2: {  	s23 =	simm.s32 $0x1B8B  }
0xa3: {  	_ =	swait.ge [sflag:s23], $0x1  }
0xa4: {  	[sflag:s23] =	ssyncset.done $0x0  }
0xa5: {  	s25 =	simm.s32 $0x1B8E;
	s24 =	sld [smem:$0x3FFE];
	[sflag:s23] =	ssyncadd.s32 $0xFFFFFFFF  }
0xa6: {  	s26 =	simm.s32 $execute0_lowered;
	[smem:$0x3FD2] =	sst s25  }
0xa7: {  	s6 =	sshll.u32 s26, $0x1;
	_ =	strace $0x80000046;
	[dreg:$0x1] =	wrdreg $0xFFFFFFFF  }
0xa8: {  	s28 =	simm.s32 $_size_execute0_lowered;
	s4 =	sadd.s32 s4, s6;
	[dreg:$0x0] =	wrdreg $0x0  }
0xa9: {  	s6 =	sshll.u32 s28, $0x1;
	[dreg:$0x2] =	wrdreg s4  }
0xaa: {  	[dreg:$0x3] =	wrdreg s6  }
0xab: {  	[dreg:$0x4] =	wrdreg $0xC0  }
0xac: {  	_ =	task [dreg:s8], $0x5FFFF  }
0xad: {  	[dreg:$0x1] =	wrdreg $0xFFFFFFFF  }
0xae: {  	[dreg:$0x0] =	wrdreg $0x60  }
0xaf: {  	[dreg:$0x2] =	wrdreg s24  }
0xb0: {  	[dreg:$0x3] =	wrdreg s2  }
0xb1: {  	[dreg:$0x4] =	wrdreg s18  }
0xb2: {  	[dreg:$0x5] =	wrdreg $0xCE800  }
0xb3: {  	[dreg:$0x6] =	wrdreg $0x9  }
0xb4: {  	_ =	task.clear_ibuf [dreg:s8], $0x7FFFF;
	_ =	strace $0x90000046  }
0xb5: {  	s29 =	simm.s32 $0x9;
	_ =	strace $0x80000048  }
0xb6: {  	_ =	swait.ge [sflag:s29], $0x1  }
0xb7: {  	[sflag:s29] =	ssyncadd.s32 $0xFFFFFFFF  }
0xb8: {  	_ =	strace $0x90000048  }
0xb9: {  	_ =	sfence  }
0xba: {  	s30 =	sld [smem:$0x0];
	_ =	sdelay $0x2  }
0xbb: {  	s31 =	sshll.u32 s1, $0xD;
	s1 =	sshrl.u32 s1, $0x2  }
0xbc: {  	s3 =	sand.u32 $0x4000, s31;
	s1 =	sadd.s32 s1, s30  }
0xbd: {  	s0 =	sor.u32 s3, s0;
	s1 =	sshll.u32 s1, $0x11  }
0xbe: {  	s0 =	sor.u32 s1, s0  }
0xbf: {  	s0 =	sadd.s32 $0x8F2B, s0  }
0xc0: {  	[sflag:s0] =	ssyncadd.remote.s32 $0x1  }
0xc1: {  	_ =	sfence.sel $0xFFFF  }
0xc2: {  	[dreg:$0x0] =	wrdreg $0xFFFFFFFF;
	(pc) =	sbr.abs _section_cstart, $3  }
0xc3: {  	[dreg:$0x1] =	wrdreg $0xFFFFFFFF  }
0xc4: {  	_ =	task.clear_ibuf [dreg:s8], $0x2FFFF;
	_ =	strace $0x9FFFFFFF  }
0xc5: {  	(tm) =	ssettm $0x7FFFFFFF  }
tec
execute0_lowered:
.L_overlay_start_1:
0x0: {  	(tag) =	ssettag $0x1  }
0x1: {  	s5 =	rddreg [dreg:$0x0]  }
0x2: {  	s0 =	rddreg [dreg:$0x1]  }
0x3: {  	s7 =	rddreg [dreg:$0x2]  }
0x4: {  	s1 =	rddreg [dreg:$0x3];
	s2 =	simm.s32 $0x0;
	s6 =	srdreg.scid  }
0x5: {  	s15 =	stileid.u32;
	s13 =	simm.s32 $0xFFFFFFF2;
	[smem:$0x7FF] =	sst s2  }
0x6: {  	s4 =	sadd.s32 $0x1E00, s5;
	s3 =	sadd.s32 $0x4600, s5;
	s8 =	sand.u32 $0x1, s6  }
0x7: {  	p0 =	seq.s32 s15, $0xF;
	s6 =	simm.s32 $0xFFFFFFF1;
	s28 =	sadd.s32 $0x6E00, s5  }
0x8: {  	s24 =	smul.u32 $0x1400, s15;
	p1 =	sgt.u32 s15, $0x1;
	_ =	strace $0x80000047  }
0x9: {  	s30 =	ssub.s32 $0x2, s8;
	s6 =	simm.s32 @!p0 $0x1;
	s10 =	sshll.u32 s8, $0x4  }
0xa: {  	p0 =	sgt.u32 s15, $0xD;
	s8 =	smul.u32 $0x14000, s8;
	s11 =	sadd.s32 s15, s6  }
0xb: {  	s9 =	sshrl.u32 s30, $0x1;
	s13 =	simm.s32 @!p0 $0x2;
	s12 =	smul.u32 $0x1400, s11  }
0xc: {  	s6 =	sor.u32 s15, s10;
	s25 =	smul.u32 $0x280, s11;
	s14 =	sadd.s32 s15, s13  }
0xd: {  	p0 =	sgt.u32 s15, $0xC;
	s10 =	simm.s32 $0xFFFFFFF7;
	s16 =	smul.u32 $0x1400, s14  }
0xe: {  	s5 =	ssub.s32 s30, s9;
	s8 =	sadd.s32 s24, s8;
	s21 =	smul.u32 $0x280, s14  }
0xf: {  	s8 =	sshrl.u32 s8, $0x3;
	s11 =	sshrl.u32 s12, $0x3;
	s12 =	simm.s32 $0xFFFFFFF3  }
0x10: {  	s7 =	sadd.s32 s7, s8;
	s31 =	sadd.s32 s4, s11;
	s12 =	simm.s32 @!p0 $0x3  }
0x11: {  	p0 =	sgt.u32 s15, $0xB;
	s9 =	sadd.s32 s3, s11;
	s11 =	sshrl.u32 s16, $0x3  }
0x12: {  	[dreg:$0xd] =	wrdreg s7;
	s7 =	simm.s32 $0xFFFFFFF6;
	s17 =	sadd.s32 s15, s12  }
0x13: {  	s12 =	simm.s32 $0xFFFFFFF4;
	[dreg:$0x5] =	wrdreg s9;
	s20 =	sadd.s32 s4, s11  }
0x14: {  	s11 =	sadd.s32 s3, s11;
	s18 =	smul.u32 $0x1400, s17;
	[dreg:$0x7] =	wrdreg s20  }
0x15: {  	s12 =	simm.s32 @!p0 $0x4;
	s16 =	smul.u32 $0x280, s17;
	[dreg:$0x8] =	wrdreg s11  }
0x16: {  	p0 =	sgt.u32 s15, $0xA;
	s11 =	simm.s32 $0xFFFFFFF5;
	s19 =	sadd.s32 s15, s12  }
0x17: {  	s11 =	simm.s32 @!p0 $0x5;
	p0 =	sgt.u32 s15, $0x9;
	s22 =	smul.u32 $0x1400, s19  }
0x18: {  	s9 =	sshrl.u32 s18, $0x3;
	s17 =	smul.u32 $0x280, s19;
	s29 =	sadd.s32 s15, s11  }
0x19: {  	s7 =	simm.s32 @!p0 $0x6;
	p0 =	sgt.u32 s15, $0x8;
	[dreg:$0x6] =	wrdreg s16  }
0x1a: {  	s23 =	sadd.s32 s4, s9;
	s9 =	sadd.s32 s3, s9;
	s12 =	smul.u32 $0x1400, s29  }
0x1b: {  	s13 =	smul.u32 $0x280, s29;
	s7 =	sadd.s32 s15, s7;
	[dreg:$0x9] =	wrdreg s23  }
0x1c: {  	s10 =	simm.s32 @!p0 $0x7;
	p0 =	slt.u32 s15, $0x8;
	[dreg:$0xa] =	wrdreg s9  }
0x1d: {  	s26 =	sshrl.u32 s22, $0x3;
	s20 =	smul.u32 $0x1400, s7;
	s23 =	sadd.s32 s15, s10  }
0x1e: {  	s10 =	simm.s32 $0x8;
	[dreg:$0xb] =	wrdreg s17;
	s17 =	sadd.s32 $0x2800, s17  }
0x1f: {  	s30 =	sadd.s32 s4, s26;
	s14 =	sadd.s32 s3, s26;
	[dreg:$0x11] =	wrdreg s13  }
0x20: {  	s18 =	sshrl.u32 s12, $0x3;
	s24 =	smul.u32 $0x1400, s23;
	[smem:$0x7FB] =	sst s17  }
0x21: {  	s10 =	simm.s32 @!p0 $0xFFFFFFF8;
	p0 =	sgt.u32 s15, $0x6;
	[dreg:$0xc] =	wrdreg s30  }
0x22: {  	s13 =	sadd.s32 $0x2800, s13;
	[dreg:$0xe] =	wrdreg s14;
	s19 =	sadd.s32 s4, s18  }
0x23: {  	s8 =	sadd.s32 s3, s18;
	s18 =	smul.u32 $0x280, s7;
	[smem:$0x7FC] =	sst s13  }
0x24: {  	s22 =	sshrl.u32 s20, $0x3;
	s29 =	sadd.s32 s15, s10;
	[dreg:$0xf] =	wrdreg s19  }
0x25: {  	s10 =	simm.s32 $0xFFFFFFF9;
	[dreg:$0x10] =	wrdreg s8;
	s19 =	smul.u32 $0x280, s23  }
0x26: {  	s9 =	sadd.s32 s4, s22;
	s7 =	sadd.s32 s3, s22;
	s30 =	smul.u32 $0x1400, s29  }
0x27: {  	s26 =	sshrl.u32 s24, $0x3;
	s20 =	smul.u32 $0x280, s29;
	[dreg:$0x12] =	wrdreg s9  }
0x28: {  	s10 =	simm.s32 @!p0 $0x9;
	p0 =	sgt.u32 s15, $0x5;
	[dreg:$0x13] =	wrdreg s7  }
0x29: {  	s9 =	sadd.s32 s4, s26;
	s7 =	sadd.s32 s3, s26;
	[dreg:$0x16] =	wrdreg s18  }
0x2a: {  	s11 =	sadd.s32 s15, s10;
	s10 =	simm.s32 $0xFFFFFFFA;
	[dreg:$0x14] =	wrdreg s9  }
0x2b: {  	s18 =	sadd.s32 $0x2800, s18;
	[dreg:$0x15] =	wrdreg s7;
	s12 =	smul.u32 $0x1400, s11  }
0x2c: {  	s8 =	sshrl.u32 s30, $0x3;
	s22 =	smul.u32 $0x280, s11;
	[dreg:$0x1b] =	wrdreg s19  }
0x2d: {  	s10 =	simm.s32 @!p0 $0xA;
	p0 =	sgt.u32 s15, $0x4;
	[dreg:$0x1e] =	wrdreg s20  }
0x2e: {  	[smem:$0x7FD] =	sst s18;
	s9 =	sadd.s32 s4, s8;
	s7 =	sadd.s32 s3, s8  }
0x2f: {  	s23 =	sadd.s32 s15, s10;
	s10 =	simm.s32 $0xFFFFFFFB;
	[dreg:$0x17] =	wrdreg s9  }
0x30: {  	s8 =	simm.s32 $0xFFFFFFFC;
	[dreg:$0x18] =	wrdreg s7;
	s24 =	smul.u32 $0x1400, s23  }
0x31: {  	s14 =	sshrl.u32 s12, $0x3;
	s23 =	smul.u32 $0x280, s23;
	s10 =	simm.s32 @!p0 $0xB  }
0x32: {  	p0 =	sgt.u32 s15, $0x3;
	[smem:$0x7ED] =	sst s22;
	s9 =	sadd.s32 s4, s14  }
0x33: {  	s7 =	sadd.s32 s3, s14;
	s26 =	sadd.s32 s15, s10;
	s8 =	simm.s32 @!p0 $0xC  }
0x34: {  	p0 =	sgt.u32 s15, $0x2;
	[dreg:$0x19] =	wrdreg s9;
	s10 =	smul.u32 $0x1400, s26  }
0x35: {  	[dreg:$0x1a] =	wrdreg s7;
	s9 =	sshrl.u32 s24, $0x3;
	s26 =	smul.u32 $0x280, s26  }
0x36: {  	s29 =	sadd.s32 s15, s8;
	s7 =	simm.s32 $0xFFFFFFFD;
	[smem:$0x7EF] =	sst s23  }
0x37: {  	s30 =	sadd.s32 s4, s9;
	s11 =	sadd.s32 s3, s9;
	s14 =	smul.u32 $0x1400, s29  }
0x38: {  	s29 =	smul.u32 $0x280, s29;
	s7 =	simm.s32 @!p0 $0xD;
	[dreg:$0x1c] =	wrdreg s30  }
0x39: {  	p0 =	seq.s32 s15, $0x0;
	[dreg:$0x1d] =	wrdreg s11;
	s12 =	sshrl.u32 s10, $0x3  }
0x3a: {  	s10 =	simm.s32 $0xFFFFFFFE;
	s7 =	sadd.s32 s15, s7;
	[smem:$0x7F1] =	sst s26  }
0x3b: {  	s11 =	simm.s32 $0xF;
	s24 =	sadd.s32 s4, s12;
	[smem:$0x7F3] =	sst s29  }
0x3c: {  	s8 =	sadd.s32 s3, s12;
	s10 =	simm.s32 @!p1 $0xE;
	[dreg:$0x1f] =	wrdreg s24  }
0x3d: {  	s30 =	sshrl.u32 s14, $0x3;
	s11 =	simm.s32 @!p0 $0xFFFFFFFF;
	[smem:$0x7E1] =	sst s8  }
0x3e: {  	s9 =	sadd.s32 s15, s10;
	s10 =	smul.u32 $0x1400, s7;
	s14 =	sadd.s32 s4, s30  }
0x3f: {  	s8 =	sadd.s32 s3, s30;
	[smem:$0x7E2] =	sst s14;
	s24 =	smul.u32 $0x1400, s9  }
0x40: {  	s30 =	smul.u32 $0x280, s7;
	s7 =	sadd.s32 s15, s11;
	[smem:$0x7E3] =	sst s8  }
0x41: {  	s11 =	smul.u32 $0x1400, s7;
	s14 =	sshrl.u32 s10, $0x3;
	s24 =	sshrl.u32 s24, $0x3  }
0x42: {  	s12 =	sadd.s32 s4, s14;
	s8 =	sadd.s32 s3, s14;
	s14 =	sadd.s32 s4, s24  }
0x43: {  	s24 =	sadd.s32 s3, s24;
	[smem:$0x7E5] =	sst s14;
	s14 =	smul.u32 $0x280, s15  }
0x44: {  	[smem:$0x7E6] =	sst s24;
	s24 =	smul.u32 $0xA00, s15  }
0x45: {  	[smem:$0x7F5] =	sst s30;
	s10 =	sshrl.u32 s11, $0x3;
	s15 =	smul.u32 $0x280, s9  }
0x46: {  	s5 =	smax.u32 s5, $0x1;
	[smem:$0x7E4] =	sst s8;
	s8 =	sadd.s32 s3, s10  }
0x47: {  	s11 =	sadd.s32 s4, s14;
	s4 =	sadd.s32 s4, s10;
	[smem:$0x7F7] =	sst s15  }
0x48: {  	s10 =	sadd.s32 s3, s14;
	s3 =	sadd.s32 $0x2800, s25;
	[smem:$0x7E7] =	sst s4  }
0x49: {  	s16 =	sadd.s32 $0x2800, s16;
	s4 =	sadd.s32 $0x2800, s14;
	[smem:$0x7E9] =	sst s3  }
0x4a: {  	p0 =	seq.s32 s6, $0x1F;
	s3 =	sadd.s32 $0x2800, s19;
	[smem:$0x7E8] =	sst s4  }
0x4b: {  	p1 =	sne.s32 s6, $0x1F;
	s19 =	sadd.s32 $0x2800, s22;
	[smem:$0x7EB] =	sst s3  }
0x4c: {  	s7 =	smul.u32 $0x280, s7;
	s22 =	sadd.s32 $0x2800, s26;
	[smem:$0x7EE] =	sst s19  }
0x4d: {  	s6 =	smul.u32 $0xA00, s6;
	s26 =	sadd.s32 $0x2800, s30;
	[smem:$0x7F2] =	sst s22  }
0x4e: {  	s24 =	sshrl.u32 s24, $0x2;
	s30 =	sadd.s32 $0x2800, s7;
	[smem:$0x7F6] =	sst s26  }
0x4f: {  	s6 =	sadd.s32 s0, s6;
	s24 =	sadd.s32 s24, s1;
	[smem:$0x7F9] =	sst s30  }
0x50: {  	s9 =	sadd.s32 $0x13600, s0;
	s4 =	sadd.s32 $0x2800, s21;
	[smem:$0x7FA] =	sst s24  }
0x51: {  	s19 =	simm.s32 $0x80;
	[smem:$0x7EA] =	sst s4;
	s4 =	sadd.s32 $0x2800, s20  }
0x52: {  	s22 =	simm.s32 $0x1;
	s20 =	sadd.s32 $0x2800, s23;
	[smem:$0x7EC] =	sst s4  }
0x53: {  	s26 =	simm.s32 $0x0;
	s23 =	sadd.s32 $0x2800, s29;
	[smem:$0x7F0] =	sst s20  }
0x54: {  	s29 =	sadd.s32 $0x2800, s15;
	s15 =	simm.s32 $0x2;
	[smem:$0x7F4] =	sst s23  }
0x55: {  	v0 =	vimm.f32 $0.0e+00;
	v1 =	vlaneseq.u32;
	v2 =	vimm.s32 $0x0;
	[smem:$0x7F8] =	sst s29;
	s20 =	simm.s32 $0x400;
	s23 =	simm.s32 $0x2800  }
.LBB2_1:
0x56: {  	[tilespmem:s14], [sflag:$0x1] =	stream.strided.gather [hbm4b:s11+s19], $0x280, s20, s19, $0x38;
	[tilespmem:$0xD100] =	vst v63  }
0x57: {  	s0 =	sld [smem:$0x7E8]  }
0x58: {  	s29 =	rddreg [dreg:$0x5]  }
0x59: {  	s3 =	sld [smem:$0x7E9]  }
0x5a: {  	[tilespmem:s0], [sflag:$0x1] =	stream.strided.gather [hbm4b:s10+s19], $0x280, s20, s19, $0x38;
	[tilespmem:$0xD100] =	vst v63  }
0x5b: {  	s30 =	rddreg [dreg:$0x7]  }
0x5c: {  	[tilespmem:s25], [sflag:$0x1] =	stream.strided.gather [hbm4b:s31+s19], $0x280, s20, s19, $0x38;
	[tilespmem:$0xD100] =	vst v63  }
0x5d: {  	s4 =	sld [smem:$0x7EA]  }
0x5e: {  	[tilespmem:s3], [sflag:$0x1] =	stream.strided.gather [hbm4b:s29+s19], $0x280, s20, s19, $0x38;
	[tilespmem:$0xD100] =	vst v63  }
0x5f: {  	s3 =	rddreg [dreg:$0x8]  }
0x60: {  	s29 =	rddreg [dreg:$0x6]  }
0x61: {  	[tilespmem:s21], [sflag:$0x1] =	stream.strided.gather [hbm4b:s30+s19], $0x280, s20, s19, $0x38;
	[tilespmem:$0xD100] =	vst v63  }
0x62: {  	s30 =	rddreg [dreg:$0x9]  }
0x63: {  	[tilespmem:s4], [sflag:$0x1] =	stream.strided.gather [hbm4b:s3+s19], $0x280, s20, s19, $0x38;
	[tilespmem:$0xD100] =	vst v63  }
0x64: {  	s4 =	rddreg [dreg:$0xa]  }
0x65: {  	s3 =	rddreg [dreg:$0x10]  }
0x66: {  	[tilespmem:s29], [sflag:$0x1] =	stream.strided.gather [hbm4b:s30+s19], $0x280, s20, s19, $0x38;
	[tilespmem:$0xD100] =	vst v63  }
0x67: {  	s29 =	rddreg [dreg:$0xb]  }
0x68: {  	s30 =	rddreg [dreg:$0xc]  }
0x69: {  	[tilespmem:s16], [sflag:$0x1] =	stream.strided.gather [hbm4b:s4+s19], $0x280, s20, s19, $0x38;
	[tilespmem:$0xD100] =	vst v63  }
0x6a: {  	s4 =	rddreg [dreg:$0xe]  }
0x6b: {  	[tilespmem:s29], [sflag:$0x1] =	stream.strided.gather [hbm4b:s30+s19], $0x280, s20, s19, $0x38;
	[tilespmem:$0xD100] =	vst v63  }
0x6c: {  	s29 =	rddreg [dreg:$0xf]  }
0x6d: {  	s30 =	rddreg [dreg:$0x11]  }
0x6e: {  	[tilespmem:s17], [sflag:$0x1] =	stream.strided.gather [hbm4b:s4+s19], $0x280, s20, s19, $0x38;
	[tilespmem:$0xD100] =	vst v63  }
0x6f: {  	s4 =	rddreg [dreg:$0x12]  }
0x70: {  	[tilespmem:s30], [sflag:$0x1] =	stream.strided.gather [hbm4b:s29+s19], $0x280, s20, s19, $0x38;
	[tilespmem:$0xD100] =	vst v63  }
0x71: {  	s29 =	rddreg [dreg:$0x16]  }
0x72: {  	s30 =	rddreg [dreg:$0x13]  }
0x73: {  	[tilespmem:s13], [sflag:$0x1] =	stream.strided.gather [hbm4b:s3+s19], $0x280, s20, s19, $0x38;
	[tilespmem:$0xD100] =	vst v63  }
0x74: {  	s3 =	rddreg [dreg:$0x14]  }
0x75: {  	[tilespmem:s29], [sflag:$0x1] =	stream.strided.gather [hbm4b:s4+s19], $0x280, s20, s19, $0x38;
	[tilespmem:$0xD100] =	vst v63  }
0x76: {  	s4 =	rddreg [dreg:$0x1b]  }
0x77: {  	s29 =	rddreg [dreg:$0x15]  }
0x78: {  	[tilespmem:s18], [sflag:$0x1] =	stream.strided.gather [hbm4b:s30+s19], $0x280, s20, s19, $0x38;
	[tilespmem:$0xD100] =	vst v63  }
0x79: {  	s30 =	sld [smem:$0x7EB]  }
0x7a: {  	[tilespmem:s4], [sflag:$0x1] =	stream.strided.gather [hbm4b:s3+s19], $0x280, s20, s19, $0x38;
	[tilespmem:$0xD100] =	vst v63  }
0x7b: {  	s3 =	rddreg [dreg:$0x17]  }
0x7c: {  	s4 =	rddreg [dreg:$0x1e]  }
0x7d: {  	[tilespmem:s30], [sflag:$0x1] =	stream.strided.gather [hbm4b:s29+s19], $0x280, s20, s19, $0x38;
	[tilespmem:$0xD100] =	vst v63  }
0x7e: {  	s29 =	rddreg [dreg:$0x18]  }
0x7f: {  	s30 =	sld [smem:$0x7EC]  }
0x80: {  	[tilespmem:s4], [sflag:$0x1] =	stream.strided.gather [hbm4b:s3+s19], $0x280, s20, s19, $0x38;
	[tilespmem:$0xD100] =	vst v63  }
0x81: {  	s3 =	rddreg [dreg:$0x19]  }
0x82: {  	s4 =	sld [smem:$0x7ED]  }
0x83: {  	[tilespmem:s30], [sflag:$0x1] =	stream.strided.gather [hbm4b:s29+s19], $0x280, s20, s19, $0x38;
	[tilespmem:$0xD100] =	vst v63  }
0x84: {  	s29 =	rddreg [dreg:$0x1a]  }
0x85: {  	s30 =	sld [smem:$0x7EE]  }
0x86: {  	[tilespmem:s4], [sflag:$0x1] =	stream.strided.gather [hbm4b:s3+s19], $0x280, s20, s19, $0x38;
	[tilespmem:$0xD100] =	vst v63  }
0x87: {  	s3 =	rddreg [dreg:$0x1c]  }
0x88: {  	s4 =	sld [smem:$0x7EF]  }
0x89: {  	[tilespmem:s30], [sflag:$0x1] =	stream.strided.gather [hbm4b:s29+s19], $0x280, s20, s19, $0x38;
	[tilespmem:$0xD100] =	vst v63  }
0x8a: {  	s29 =	rddreg [dreg:$0x1d]  }
0x8b: {  	s30 =	sld [smem:$0x7F0]  }
0x8c: {  	[tilespmem:s4], [sflag:$0x1] =	stream.strided.gather [hbm4b:s3+s19], $0x280, s20, s19, $0x38;
	[tilespmem:$0xD100] =	vst v63  }
0x8d: {  	s3 =	rddreg [dreg:$0x1f]  }
0x8e: {  	s4 =	sld [smem:$0x7F1]  }
0x8f: {  	[tilespmem:s30], [sflag:$0x1] =	stream.strided.gather [hbm4b:s29+s19], $0x280, s20, s19, $0x38;
	[tilespmem:$0xD100] =	vst v63  }
0x90: {  	s29 =	sld [smem:$0x7E1]  }
0x91: {  	s30 =	sld [smem:$0x7F2]  }
0x92: {  	[tilespmem:s4], [sflag:$0x1] =	stream.strided.gather [hbm4b:s3+s19], $0x280, s20, s19, $0x38;
	[tilespmem:$0xD100] =	vst v63  }
0x93: {  	s3 =	sld [smem:$0x7E2]  }
0x94: {  	s4 =	sld [smem:$0x7F3]  }
0x95: {  	[tilespmem:s30], [sflag:$0x1] =	stream.strided.gather [hbm4b:s29+s19], $0x280, s20, s19, $0x38;
	[tilespmem:$0xD100] =	vst v63  }
0x96: {  	s29 =	sld [smem:$0x7E3]  }
0x97: {  	s30 =	sld [smem:$0x7F4]  }
0x98: {  	[tilespmem:s4], [sflag:$0x1] =	stream.strided.gather [hbm4b:s3+s19], $0x280, s20, s19, $0x38;
	[tilespmem:$0xD100] =	vst v63  }
0x99: {  	s4 =	sld [smem:$0x7F5]  }
0x9a: {  	s3 =	sld [smem:$0x7E5]  }
0x9b: {  	[tilespmem:s30], [sflag:$0x1] =	stream.strided.gather [hbm4b:s29+s19], $0x280, s20, s19, $0x38;
	[tilespmem:$0xD100] =	vst v63  }
0x9c: {  	s29 =	sld [smem:$0x7E4]  }
0x9d: {  	s30 =	sld [smem:$0x7F6]  }
0x9e: {  	[tilespmem:s4], [sflag:$0x1] =	stream.strided.gather [hbm4b:s12+s19], $0x280, s20, s19, $0x38;
	[tilespmem:$0xD100] =	vst v63  }
0x9f: {  	s4 =	sld [smem:$0x7F7]  }
0xa0: {  	[tilespmem:s30], [sflag:$0x1] =	stream.strided.gather [hbm4b:s29+s19], $0x280, s20, s19, $0x38;
	[tilespmem:$0xD100] =	vst v63  }
0xa1: {  	s29 =	sld [smem:$0x7E6]  }
0xa2: {  	s30 =	sld [smem:$0x7F8]  }
0xa3: {  	[tilespmem:s4], [sflag:$0x1] =	stream.strided.gather [hbm4b:s3+s19], $0x280, s20, s19, $0x38;
	[tilespmem:$0xD100] =	vst v63  }
0xa4: {  	s4 =	sld [smem:$0x7E7]  }
0xa5: {  	[tilespmem:s30], [sflag:$0x1] =	stream.strided.gather [hbm4b:s29+s19], $0x280, s20, s19, $0x38;
	[tilespmem:$0xD100] =	vst v63  }
0xa6: {  	s29 =	sld [smem:$0x7F9]  }
0xa7: {  	[tilespmem:s7], [sflag:$0x1] =	stream.strided.gather [hbm4b:s4+s19], $0x280, s20, s19, $0x38;
	[tilespmem:$0xD100] =	vst v63  }
0xa8: {  	_ = 	snop  }
0xa9: {  	[tilespmem:s29], [sflag:$0x1] =	stream.strided.gather [hbm4b:s8+s19], $0x280, s20, s19, $0x38;
	[tilespmem:$0xD100] =	vst v63  }
0xaa: {  	s0 =	simm.s32 @p0 $0x0;
	s29 =	simm.s32 @p0 $0x5400  }
0xab: {  	[tilespmem:s29], [sflag:$0x1] =	stream.linear.gather @p0 [hbm4b:s9+s0], $0x1400, $0x38;
	[tilespmem:$0xD100] =	vst v63  }
0xac: {  	s0 =	simm.s32 @!p0 $0x0;
	s29 =	simm.s32 @!p0 $0x5400  }
0xad: {  	[tilespmem:s29], [sflag:$0x1] =	stream.linear.gather @!p0 [hbm4b:s6+s0], $0x5000, $0x38;
	[tilespmem:$0xD100] =	vst v63  }
0xae: {  	s30 =	simm.s32 $0x5000  }
0xaf: {  	[tilespmem:s30], [sflag:$0x2] =	stream.linear.gather [hbm4b:s28+s2], $0x400, $0x38;
	[tilespmem:$0xD100] =	vst v63  }
0xb0: {  	_ =	swait.ge [sflag:s15], $0x400  }
0xb1: {  	[sflag:s15] =	ssyncset.done $0x0  }
0xb2: {  	[sflag:s15] =	ssyncadd.s32 $0xFFFFFC00  }
0xb3: {  	[tilespmem:$0xCC00] =	vst v0  }
0xb4: {  	[tilespmem:$0xCC10] =	vst v0  }
0xb5: {  	[tilespmem:$0xCC20] =	vst v0  }
0xb6: {  	[tilespmem:$0xCC30] =	vst v0  }
0xb7: {  	[tilespmem:$0xCC40] =	vst v0  }
0xb8: {  	[tilespmem:$0xCC50] =	vst v0  }
0xb9: {  	[tilespmem:$0xCC60] =	vst v0  }
0xba: {  	[tilespmem:$0xCC70] =	vst v0  }
0xbb: {  	[tilespmem:$0xCC80] =	vst v0  }
0xbc: {  	[tilespmem:$0xCC90] =	vst v0  }
0xbd: {  	[tilespmem:$0xCCA0] =	vst v0  }
0xbe: {  	[tilespmem:$0xCCB0] =	vst v0  }
0xbf: {  	[tilespmem:$0xCCC0] =	vst v0  }
0xc0: {  	[tilespmem:$0xCCD0] =	vst v0  }
0xc1: {  	[tilespmem:$0xCCE0] =	vst v0  }
0xc2: {  	[tilespmem:$0xCCF0] =	vst v0  }
0xc3: {  	[tilespmem:$0xCD00] =	vst v0  }
0xc4: {  	[tilespmem:$0xCD10] =	vst v0  }
0xc5: {  	[tilespmem:$0xCD20] =	vst v0  }
0xc6: {  	[tilespmem:$0xCD30] =	vst v0  }
0xc7: {  	[tilespmem:$0xCD40] =	vst v0  }
0xc8: {  	[tilespmem:$0xCD50] =	vst v0  }
0xc9: {  	[tilespmem:$0xCD60] =	vst v0  }
0xca: {  	[tilespmem:$0xCD70] =	vst v0  }
0xcb: {  	[tilespmem:$0xCD80] =	vst v0  }
0xcc: {  	[tilespmem:$0xCD90] =	vst v0  }
0xcd: {  	[tilespmem:$0xCDA0] =	vst v0  }
0xce: {  	[tilespmem:$0xCDB0] =	vst v0  }
0xcf: {  	[tilespmem:$0xCDC0] =	vst v0  }
0xd0: {  	[tilespmem:$0xCDD0] =	vst v0  }
0xd1: {  	[tilespmem:$0xCDE0] =	vst v0  }
0xd2: {  	[tilespmem:$0xCDF0] =	vst v0  }
0xd3: {  	[tilespmem:$0xCE00] =	vst v0  }
0xd4: {  	[tilespmem:$0xCE10] =	vst v0  }
0xd5: {  	[tilespmem:$0xCE20] =	vst v0  }
.Ltmp0:
0xd6: {  	[tilespmem:$0xCE30] =	vst v0;
	(pc) =	sbr.rel @p1 .LBB2_5-.Ltmp0, $4  }
0xd7: {  	[tilespmem:$0xCE40] =	vst v0  }
0xd8: {  	[tilespmem:$0xCE50] =	vst v0  }
0xd9: {  	[tilespmem:$0xCE60] =	vst v0  }
0xda: {  	[tilespmem:$0xCE70] =	vst v0  }
0xdb: {  	s24 =	smov.u32 s16;
	s0 =	simm.s32 $0xA40  }
0xdc: {  	s13 =	smov.u32 s9;
	s17 =	smov.u32 s10;
	s29 =	simm.s32 $0xA20;
	v9 =	vor.u32 s0, v1  }
0xdd: {  	s10 =	smov.u32 s8;
	s16 =	smov.u32 s11;
	s8 =	simm.s32 $0xA00;
	v8 =	vor.u32 s29, v1;
	v10 =	vmulhi.u32 $0x88888889, v9  }
0xde: {  	s11 =	smov.u32 s25;
	s25 =	smov.u32 s28;
	s28 =	simm.s32 $0xA60;
	v5 =	vor.u32 s8, v1;
	v4 =	vmulhi.u32 $0x88888889, v8  }
0xdf: {  	s9 =	smov.u32 s6;
	s6 =	smov.u32 s7;
	s30 =	simm.s32 $0xA10;
	v11 =	vor.u32 s28, v1;
	v12 =	vmulhi.u32 $0x88888889, v5  }
0xe0: {  	s7 =	smov.u32 s12;
	s29 =	simm.s32 $0x68F0;
	v6 =	vor.u32 s30, v1;
	s30 =	simm.s32 $0xA50;
	v13 =	vmulhi.u32 $0x88888889, v11  }
0xe1: {  	s12 =	smov.u32 s21;
	s21 =	smov.u32 s31;
	s31 =	simm.s32 $0xA30;
	[tilespmem:s29+$0xFFFFFF80] =	vst v2;
	v3 =	vor.u32 s30, v1;
	v16 =	vmulhi.u32 $0x88888889, v6  }
0xe2: {  	[tilespmem:s29+$0xFFFFFF70] =	vst v2;
	v15 =	vmulhi.u32 $0x88888889, v3;
	v7 =	vshrl.u32 v4, $0x7;
	v4 =	vor.u32 s31, v1  }
0xe3: {  	s30 =	simm.s32 $0xA70;
	[tilespmem:s29+$0xFFFFFF60] =	vst v2;
	v13 =	vshrl.u32 v13, $0x7;
	v12 =	vshrl.u32 v12, $0x7;
	v16 =	vshrl.u32 v16, $0x7  }
0xe4: {  	[tilespmem:s29+$0xFFFFFF50] =	vst v2;
	v10 =	vshrl.u32 v10, $0x7;
	v14 =	vmul.u32 $0xF0, v7;
	v7 =	vor.u32 s30, v1  }
0xe5: {  	[tilespmem:s29+$0xFFFFFF40] =	vst v2;
	v13 =	vmul.u32 $0xF0, v13;
	v17 =	vmul.u32 $0xF0, v10;
	v10 =	vmul.u32 $0xF0, v12  }
0xe6: {  	[tilespmem:s29+$0xFFFFFF30] =	vst v2;
	v12 =	vmul.u32 $0xF0, v16;
	v8 =	vsub.s32 v8, v14;
	v14 =	vmulhi.u32 $0x88888889, v4  }
0xe7: {  	[tilespmem:s29+$0xFFFFFF20] =	vst v2;
	v18 =	vmulhi.u32 $0x88888889, v7;
	v13 =	vsub.s32 v11, v13;
	v9 =	vsub.s32 v9, v17  }
0xe8: {  	s18 =	smov.u32 s14;
	[tilespmem:s29+$0xFFFFFF10] =	vst v2;
	v13 =	vadd.s32 $0x2710, v13;
	v11 =	vshrl.u32 v14, $0x7;
	v14 =	vshrl.u32 v15, $0x7  }
0xe9: {  	s14 =	smov.u32 s5;
	s0 =	simm.s32 $0x69F0;
	s30 =	simm.s32 $0xAF0;
	[tilespmem:s29+$0xFFFFFFF0] =	vst v13;
	v13 =	vadd.s32 $0x2710, v9;
	v9 =	vmul.u32 $0xF0, v14;
	v14 =	vshrl.u32 v18, $0x7  }
.LBB2_3:
0xea: {  	s28 =	sadd.s32 $0xFFFFFF90, s30  }
0xeb: {  	s3 =	sadd.s32 $0xFFFFFFA0, s30;
	s31 =	sadd.s32 $0xFFFFFFB0, s30;
	v10 =	vsub.s32 v5, v10;
	v11 =	vmul.u32 $0xF0, v11;
	[tilespmem:s29+$0xFFFFFFD0] =	vst v13;
	v13 =	vmul.u32 $0xF0, v14;
	s8 =	smov.u32 s30  }
0xec: {  	s5 =	sadd.s32 $0xFFFFFFD0, s30;
	s4 =	sadd.s32 $0xFFFFFFE0, s30;
	v12 =	vsub.s32 v6, v12;
	v5 =	vor.u32 s28, v1;
	s28 =	sadd.s32 $0xFFFFFFC0, s30;
	[tilespmem:s0+$0xFFFFFF80] =	vst v2;
	v6 =	vor.u32 s3, v1  }
0xed: {  	p2 =	sne.s32 s30, $0x27F0;
	v14 =	vor.u32 s5, v1;
	s3 =	sadd.s32 $0xFFFFFFF0, s8;
	s30 =	sadd.s32 $0x80, s30;
	[tilespmem:s0+$0xFFFFFF70] =	vst v2;
	v11 =	vsub.s32 v4, v11;
	v4 =	vor.u32 s28, v1  }
0xee: {  	v15 =	vor.u32 s4, v1;
	v12 =	vadd.s32 $0x2710, v12;
	v16 =	vor.u32 s3, v1;
	[tilespmem:s0+$0xFFFFFF60] =	vst v2  }
0xef: {  	v8 =	vadd.s32 $0x2710, v8;
	v17 =	vor.u32 s31, v1;
	v18 =	vmulhi.u32 $0x88888889, v14;
	[tilespmem:s0+$0xFFFFFF50] =	vst v2  }
0xf0: {  	v19 =	vmulhi.u32 $0x88888889, v17;
	[tilespmem:s29+$0xFFFFFFA0] =	vst v12;
	v12 =	vsub.s32 v7, v13;
	v7 =	vor.u32 s8, v1  }
0xf1: {  	v10 =	vadd.s32 $0x2710, v10;
	v13 =	vmulhi.u32 $0x88888889, v5;
	[tilespmem:s29+$0xFFFFFFB0] =	vst v8;
	v8 =	vsub.s32 v3, v9;
	v3 =	vmovc v15  }
0xf2: {  	v11 =	vadd.s32 $0x2710, v11;
	v9 =	vshrl.u32 v19, $0x7;
	v15 =	vmulhi.u32 $0x88888889, v16;
	[tilespmem:s0+$0xFFFFFF40] =	vst v2  }
0xf3: {  	v9 =	vmul.u32 $0xF0, v9;
	v19 =	vmulhi.u32 $0x88888889, v3;
	[tilespmem:s29+$0xFFFFFF90] =	vst v10;
	v10 =	vadd.s32 $0x2710, v12  }
0xf4: {  	v20 =	vadd.s32 $0x2710, v8;
	v12 =	vmulhi.u32 $0x88888889, v6;
	v15 =	vshrl.u32 v15, $0x7;
	[tilespmem:s29+$0x0] =	vst v10  }
0xf5: {  	v8 =	vsub.s32 v17, v9;
	v9 =	vmulhi.u32 $0x88888889, v4;
	v10 =	vmul.u32 $0xF0, v15;
	[tilespmem:s29+$0xFFFFFFE0] =	vst v20  }
.Ltmp1:
0xf6: {  	v13 =	vshrl.u32 v13, $0x7;
	v15 =	vshrl.u32 v18, $0x7;
	v12 =	vshrl.u32 v12, $0x7;
	[tilespmem:s29+$0xFFFFFFC0] =	vst v11;
	s29 =	smov.u32 s0;
	(pc) =	sbr.rel @p2 .LBB2_3-.Ltmp1, $4  }
0xf7: {  	v17 =	vmulhi.u32 $0x88888889, v7;
	v15 =	vmul.u32 $0xF0, v15;
	v16 =	vsub.s32 v16, v10;
	[tilespmem:s0+$0xFFFFFF30] =	vst v2  }
0xf8: {  	v10 =	vmul.u32 $0xF0, v13;
	v11 =	vshrl.u32 v9, $0x7;
	v9 =	vadd.s32 $0x2710, v16;
	[tilespmem:s0+$0xFFFFFF20] =	vst v2  }
0xf9: {  	v12 =	vmul.u32 $0xF0, v12;
	v13 =	vsub.s32 v14, v15;
	v14 =	vshrl.u32 v19, $0x7;
	[tilespmem:s0+$0xFFFFFFF0] =	vst v9  }
0xfa: {  	v13 =	vadd.s32 $0x2710, v13;
	v9 =	vmul.u32 $0xF0, v14;
	v14 =	vshrl.u32 v17, $0x7;
	s0 =	sadd.s32 $0x100, s0;
	[tilespmem:s29+$0xFFFFFF10] =	vst v2  }
0xfb: {  	v6 =	vsub.s32 v6, v12;
	[tilespmem:s29+$0xFFFFFFD0] =	vst v13;
	v8 =	vadd.s32 $0x2710, v8  }
0xfc: {  	v61 =	vmul.u32 $0xF0, v14;
	v5 =	vsub.s32 v5, v10;
	s28 =	smov.u32 s25;
	s25 =	smov.u32 s11;
	s31 =	smov.u32 s21;
	v6 =	vadd.s32 $0x2710, v6;
	[tilespmem:s29+$0xFFFFFFB0] =	vst v8  }
0xfd: {  	v62 =	vmul.u32 $0xF0, v11;
	s21 =	smov.u32 s12;
	s12 =	smov.u32 s7;
	s11 =	smov.u32 s16;
	v5 =	vadd.s32 $0x2710, v5;
	v3 =	vsub.s32 v3, v9;
	[tilespmem:s29+$0xFFFFFFA0] =	vst v6  }
0xfe: {  	s8 =	smov.u32 s10;
	s16 =	smov.u32 s24;
	s24 =	sld [smem:$0x7FA];
	v7 =	vsub.s32 v7, v61;
	[tilespmem:s29+$0xFFFFFF90] =	vst v5;
	v3 =	vadd.s32 $0x2710, v3  }
0xff: {  	s10 =	smov.u32 s17;
	s7 =	smov.u32 s6;
	s17 =	sld [smem:$0x7FB];
	v4 =	vsub.s32 v4, v62;
	v63 =	vadd.s32 $0x2710, v7;
	[tilespmem:s29+$0xFFFFFFE0] =	vst v3  }
0x100: {  	s6 =	smov.u32 s9;
	s9 =	smov.u32 s13;
	s13 =	sld [smem:$0x7FC];
	v4 =	vadd.s32 $0x2710, v4;
	[tilespmem:s29+$0x0] =	vst v63  }
0x101: {  	s5 =	smov.u32 s14;
	s14 =	smov.u32 s18;
	s18 =	sld [smem:$0x7FD];
	[tilespmem:s29+$0xFFFFFFC0] =	vst v4  }
.LBB2_5:
0x102: {  	v3 =	vld [tilespmem:$0x5000]  }
0x103: {  	v4 =	vld [tilespmem:$0x5200];
	_ =	sdelay $0x3  }
0x104: {  	(xrf0) =	vmax.scan.msk.f32 $0xffff, v3  }
0x105: {  	(xrf0) =	vmax.scan.msk.f32 $0xffff, v4;
	_ =	sdelay $0x4  }
0x106: {  	v3, _, _ =	vpop (xrf0)  }
0x107: {  	(v2sf) =	vpush v3, $0xF;
	v3, _, _ =	vpop (xrf0)  }
0x108: {  	(v2sf) =	vpush v3, $0xF;
	_ =	sdelay $0xd  }
0x109: {  	s0 =	spop (v2sf)  }
0x10a: {  	s3 =	spop (v2sf)  }
0x10b: {  	_ =	swait.ge [sflag:s22], $0x2800  }
0x10c: {  	[sflag:s22] =	ssyncset.done $0x0  }
0x10d: {  	[sflag:s22] =	ssyncadd.s32 $0xFFFFD800  }
0x10e: {  	_ =	swait.ge [sflag:s22], $0x2800  }
0x10f: {  	[sflag:s22] =	ssyncset.done $0x0  }
0x110: {  	s4 =	simm.s32 @p0 $0x1;
	[sflag:s22] =	ssyncadd.s32 $0xFFFFD800  }
0x111: {  	_ =	swait.ge @p0 [sflag:s4], $0x1400  }
0x112: {  	[sflag:s4] =	ssyncset.done @p0 $0x0  }
0x113: {  	[sflag:s4] =	ssyncadd.s32 @p0 $0xFFFFEC00;
	s4 =	simm.s32 @!p0 $0x1  }
0x114: {  	_ =	swait.ge @!p0 [sflag:s4], $0x5000  }
0x115: {  	[sflag:s4] =	ssyncset.done @!p0 $0x0  }
0x116: {  	s0 =	sadd.f32 s3, s0;
	[sflag:s4] =	ssyncadd.s32 @!p0 $0xFFFFB000;
	s4 =	simm.s32 $0xCC00  }
0x117: {  	[spmem:s24] =	stream.linear.scatter [tilespmem:s4], [sflag:$0x2], $0x280, $0x38;
	[tilespmem:$0xD100] =	vst v63  }
0x118: {  	s3 =	smul.f32 $2.000000030e-01, s0;
	_ =	swait.ge [sflag:s15], $0x280  }
0x119: {  	[sflag:s15] =	ssyncset.done $0x0  }
0x11a: {  	s0 =	smax.f32 s0, s3;
	[sflag:s15] =	ssyncadd.s32 $0xFFFFFD80  }
0x11b: {  	s29 =	simm.s32 $0x0;
	s30 =	simm.s32 $0x5480;
	v3 =	vmov s0;
	[bflag:$0x0] =	sbarrier.arrive $0xFFFF  }
.LBB2_6:
0x11c: {  	v4 =	vld [tilespmem:s30+$0xFFFFFF80]  }
0x11d: {  	v5 =	vld [tilespmem:s30+$0x0];
	_ =	sdelay $0x6  }
0x11e: {  	v4 =	vld.idx.msk [tilespmem:v4+s2+$0x0], $0xffff  }
0x11f: {  	v5 =	vld.idx.msk [tilespmem:v5+s23+$0x0], $0xffff;
	_ =	sdelay $0x4  }
0x120: {  	v4 =	vadd.f32 v5, v4;
	_ =	sdelay $0x1  }
0x121: {  	v5 =	vmul.f32 $2.000000030e-01, v4;
	_ =	sdelay $0x1  }
0x122: {  	v4 =	vmax.f32 v4, v5  }
0x123: {  	v4 =	vsub.f32 v4, v3;
	_ =	sdelay $0x1  }
0x124: {  	v4 =	vmul.f32 $1.442695020e+00, v4;
	_ =	sdelay $0x1  }
0x125: {  	(erf) = vpow2.f32 v4;
	_ =	sdelay $0x8  }
0x126: {  	s0 =	sshra.s32 s29, $0x2;
	v4 =	vpop (erf)  }
0x127: {  	[tilespmem:s0+$0xA400] =	vst v4  }
0x128: {  	v4 =	vld [tilespmem:s30+$0xFFFFFF90]  }
0x129: {  	v5 =	vld [tilespmem:s30+$0x10];
	_ =	sdelay $0x6  }
0x12a: {  	v4 =	vld.idx.msk [tilespmem:v4+s2+$0x0], $0xffff  }
0x12b: {  	v5 =	vld.idx.msk [tilespmem:v5+s23+$0x0], $0xffff;
	_ =	sdelay $0x4  }
0x12c: {  	v4 =	vadd.f32 v5, v4;
	_ =	sdelay $0x1  }
0x12d: {  	v5 =	vmul.f32 $2.000000030e-01, v4;
	_ =	sdelay $0x1  }
0x12e: {  	v4 =	vmax.f32 v4, v5  }
0x12f: {  	v4 =	vsub.f32 v4, v3;
	_ =	sdelay $0x1  }
0x130: {  	v4 =	vmul.f32 $1.442695020e+00, v4;
	_ =	sdelay $0x1  }
0x131: {  	(erf) = vpow2.f32 v4;
	_ =	sdelay $0x8  }
0x132: {  	v4 =	vpop (erf)  }
0x133: {  	[tilespmem:s0+$0xA410] =	vst v4  }
0x134: {  	v4 =	vld [tilespmem:s30+$0xFFFFFFA0]  }
0x135: {  	v5 =	vld [tilespmem:s30+$0x20];
	_ =	sdelay $0x6  }
0x136: {  	v4 =	vld.idx.msk [tilespmem:v4+s2+$0x0], $0xffff  }
0x137: {  	v5 =	vld.idx.msk [tilespmem:v5+s23+$0x0], $0xffff;
	_ =	sdelay $0x4  }
0x138: {  	v4 =	vadd.f32 v5, v4;
	_ =	sdelay $0x1  }
0x139: {  	v5 =	vmul.f32 $2.000000030e-01, v4;
	_ =	sdelay $0x1  }
0x13a: {  	v4 =	vmax.f32 v4, v5  }
0x13b: {  	v4 =	vsub.f32 v4, v3;
	_ =	sdelay $0x1  }
0x13c: {  	v4 =	vmul.f32 $1.442695020e+00, v4;
	_ =	sdelay $0x1  }
0x13d: {  	(erf) = vpow2.f32 v4;
	_ =	sdelay $0x8  }
0x13e: {  	v4 =	vpop (erf)  }
0x13f: {  	[tilespmem:s0+$0xA420] =	vst v4  }
0x140: {  	v4 =	vld [tilespmem:s30+$0xFFFFFFB0]  }
0x141: {  	v5 =	vld [tilespmem:s30+$0x30];
	_ =	sdelay $0x6  }
0x142: {  	v4 =	vld.idx.msk [tilespmem:v4+s2+$0x0], $0xffff  }
0x143: {  	v5 =	vld.idx.msk [tilespmem:v5+s23+$0x0], $0xffff;
	_ =	sdelay $0x4  }
0x144: {  	v4 =	vadd.f32 v5, v4;
	_ =	sdelay $0x1  }
0x145: {  	v5 =	vmul.f32 $2.000000030e-01, v4;
	_ =	sdelay $0x1  }
0x146: {  	v4 =	vmax.f32 v4, v5  }
0x147: {  	v4 =	vsub.f32 v4, v3;
	_ =	sdelay $0x1  }
0x148: {  	v4 =	vmul.f32 $1.442695020e+00, v4;
	_ =	sdelay $0x1  }
0x149: {  	(erf) = vpow2.f32 v4;
	_ =	sdelay $0x8  }
0x14a: {  	v4 =	vpop (erf)  }
0x14b: {  	[tilespmem:s0+$0xA430] =	vst v4  }
0x14c: {  	v4 =	vld [tilespmem:s30+$0xFFFFFFC0]  }
0x14d: {  	v5 =	vld [tilespmem:s30+$0x40];
	_ =	sdelay $0x6  }
0x14e: {  	v4 =	vld.idx.msk [tilespmem:v4+s2+$0x0], $0xffff  }
0x14f: {  	v5 =	vld.idx.msk [tilespmem:v5+s23+$0x0], $0xffff;
	_ =	sdelay $0x4  }
0x150: {  	v4 =	vadd.f32 v5, v4;
	_ =	sdelay $0x1  }
0x151: {  	v5 =	vmul.f32 $2.000000030e-01, v4;
	_ =	sdelay $0x1  }
0x152: {  	v4 =	vmax.f32 v4, v5  }
0x153: {  	v4 =	vsub.f32 v4, v3;
	_ =	sdelay $0x1  }
0x154: {  	v4 =	vmul.f32 $1.442695020e+00, v4;
	_ =	sdelay $0x1  }
0x155: {  	(erf) = vpow2.f32 v4;
	_ =	sdelay $0x8  }
0x156: {  	v4 =	vpop (erf)  }
0x157: {  	[tilespmem:s0+$0xA440] =	vst v4  }
0x158: {  	v4 =	vld [tilespmem:s30+$0xFFFFFFD0]  }
0x159: {  	v5 =	vld [tilespmem:s30+$0x50];
	_ =	sdelay $0x6  }
0x15a: {  	v4 =	vld.idx.msk [tilespmem:v4+s2+$0x0], $0xffff  }
0x15b: {  	v5 =	vld.idx.msk [tilespmem:v5+s23+$0x0], $0xffff;
	_ =	sdelay $0x4  }
0x15c: {  	v4 =	vadd.f32 v5, v4;
	_ =	sdelay $0x1  }
0x15d: {  	v5 =	vmul.f32 $2.000000030e-01, v4;
	_ =	sdelay $0x1  }
0x15e: {  	v4 =	vmax.f32 v4, v5  }
0x15f: {  	v4 =	vsub.f32 v4, v3;
	_ =	sdelay $0x1  }
0x160: {  	v4 =	vmul.f32 $1.442695020e+00, v4;
	_ =	sdelay $0x1  }
0x161: {  	(erf) = vpow2.f32 v4;
	_ =	sdelay $0x8  }
0x162: {  	v4 =	vpop (erf)  }
0x163: {  	[tilespmem:s0+$0xA450] =	vst v4  }
0x164: {  	v4 =	vld [tilespmem:s30+$0xFFFFFFE0]  }
0x165: {  	v5 =	vld [tilespmem:s30+$0x60];
	_ =	sdelay $0x6  }
0x166: {  	v4 =	vld.idx.msk [tilespmem:v4+s2+$0x0], $0xffff  }
0x167: {  	v5 =	vld.idx.msk [tilespmem:v5+s23+$0x0], $0xffff;
	_ =	sdelay $0x4  }
0x168: {  	v4 =	vadd.f32 v5, v4;
	_ =	sdelay $0x1  }
0x169: {  	v5 =	vmul.f32 $2.000000030e-01, v4;
	_ =	sdelay $0x1  }
0x16a: {  	v4 =	vmax.f32 v4, v5  }
0x16b: {  	v4 =	vsub.f32 v4, v3;
	_ =	sdelay $0x1  }
0x16c: {  	v4 =	vmul.f32 $1.442695020e+00, v4;
	_ =	sdelay $0x1  }
0x16d: {  	(erf) = vpow2.f32 v4;
	_ =	sdelay $0x8  }
0x16e: {  	v4 =	vpop (erf)  }
0x16f: {  	[tilespmem:s0+$0xA460] =	vst v4  }
0x170: {  	v4 =	vld [tilespmem:s30+$0xFFFFFFF0]  }
0x171: {  	v5 =	vld [tilespmem:s30+$0x70];
	_ =	sdelay $0x6  }
0x172: {  	v4 =	vld.idx.msk [tilespmem:v4+s2+$0x0], $0xffff  }
0x173: {  	v5 =	vld.idx.msk [tilespmem:v5+s23+$0x0], $0xffff;
	_ =	sdelay $0x4  }
0x174: {  	v4 =	vadd.f32 v5, v4;
	_ =	sdelay $0x1  }
0x175: {  	v5 =	vmul.f32 $2.000000030e-01, v4;
	_ =	sdelay $0x1  }
0x176: {  	v4 =	vmax.f32 v4, v5  }
0x177: {  	v4 =	vsub.f32 v4, v3;
	_ =	sdelay $0x1  }
0x178: {  	v4 =	vmul.f32 $1.442695020e+00, v4;
	_ =	sdelay $0x1  }
0x179: {  	(erf) = vpow2.f32 v4;
	_ =	sdelay $0x6  }
0x17a: {  	p2 =	sne.s32 s29, $0x9E00  }
.Ltmp2:
0x17b: {  	_ = 	snop;
	(pc) =	sbr.rel @p2 .LBB2_6-.Ltmp2, $4  }
0x17c: {  	v4 =	vpop (erf)  }
0x17d: {  	s3 =	sadd.s32 $0xA400, s0;
	[tilespmem:s0+$0xA470] =	vst v4  }
0x17e: {  	[spmem:s1] =	stream.indirect.scatter.add.f32 [tilespmem:s3], [sflag:$0x1], $0x1, s30, s19, $0xb8;
	[tilespmem:$0xD100] =	vst v63  }
0x17f: {  	s29 =	sadd.s32 $0x200, s29;
	s30 =	sadd.s32 $0x100, s30  }
0x180: {  	_ =	swait.ge [sflag:s22], $0x2800  }
0x181: {  	[sflag:s22] =	ssyncset.done $0x0  }
0x182: {  	[sflag:s22] =	ssyncadd.s32 $0xFFFFD800  }
0x183: {  	[bflag:$0x0] =	sbarrier.arrive $0xFFFF  }
0x184: {  	[tilespmem:s4], [sflag:$0x2] =	stream.linear.gather [spmem:s24], $0x280, $0x38;
	[tilespmem:$0xD100] =	vst v63  }
0x185: {  	s26 =	sadd.s32 $0x1, s26;
	_ =	swait.ge [sflag:s15], $0x280  }
0x186: {  	p2 =	sne.s32 s26, s5;
	[sflag:s15] =	ssyncset.done $0x0  }
.Ltmp3:
0x187: {  	s0 =	rddreg [dreg:$0xd];
	[sflag:s15] =	ssyncadd.s32 $0xFFFFFD80;
	(pc) =	sbr.rel @p2 .LBB2_1-.Ltmp3, $4  }
0x188: {  	[hbm4b:s0+s19] =	stream.strided.scatter [tilespmem:s4], [sflag:$0x2], $0x280, s20, s19, $0x38;
	[tilespmem:$0xD100] =	vst v63  }
0x189: {  	_ =	swait.ge [sflag:s15], $0x280  }
0x18a: {  	[sflag:s15] =	ssyncset.done $0x0  }
0x18b: {  	[sflag:s15] =	ssyncadd.s32 $0xFFFFFD80  }
0x18c: {  	_ =	sfence.sel $0x180000  }
0x18d: {  	[bflag:$0x0] =	sbarrier.arrive $0xFFFF  }
0x18e: {  	_ =	strace $0x90000047  }
0x18f: {  	s0 =	stileid.u32;
	[bflag:$0x2] =	sbarrier.arrive $0xFFFF  }
0x190: {  	p0 =	sne.s32 s0, $0x0;
	s0 =	rddreg [dreg:$0x4]  }
0x191: {  	s0 =	sadd.s32 @!p0 $0x100000, s0  }
0x192: {  	[sflag:s0] =	ssyncadd.tile.s32 @!p0 $0x1;
	_ =	shalt  }
.Lfunc_end2:
_tile_overlayer_lowered:
.L_overlay_start_2:
0x193: {  	(tag) =	ssettag $0x2  }
0x194: {  	s0 =	rddreg [dreg:$0x0];
	s2 =	stileid.u32  }
0x195: {  	s1 =	rddreg [dreg:$0x1];
	p0 =	sne.s32 s2, $0x0  }
0x196: {  	s3 =	rddreg [dreg:$0x2];
	[bflag:$0x3] =	sbarrier.arrive $0xFFFF;
	s2 =	simm.s32 @!p0 $0x1C02  }
0x197: {  	[timem:s3], [sflag:s2] =	dma.local @!p0 [hbm:s0], s1  }
0x198: {  	s0 =	simm.s32 @!p0 $0x2  }
0x199: {  	_ =	swait.ge @!p0 [sflag:s0], s1  }
0x19a: {  	s1 =	ssub.s32 @!p0 $0x0, s1;
	[sflag:s0] =	ssyncset.done @!p0 $0x0  }
0x19b: {  	[sflag:s0] =	ssyncadd.s32 @!p0 s1  }
0x19c: {  	[bflag:$0x3] =	sbarrier.arrive $0xFFFF  }
0x19d: {  	_ =	shalt  }

</sc_bundles>
